<compile_context>
chip_gen: v7x
topology: tpu7x:2x2x1
jax: 0.10.2.dev20260603
libtpu: 0.0.44.dev20260713+nightly
codegen_flags: <defaults>
</compile_context>

<pallas_src>
import functools

import jax
import jax.numpy as jnp
from jax import lax
from jax.experimental import pallas as pl
from jax.experimental.pallas import tpu as pltpu
from jax.experimental.pallas import tpu_sc as plsc

_AUDIO_VOCAB = 2051
_NUM_CB = 32
_LANES = 16

_NUM_CORES = 2
_NUM_SUBCORES = 16
_NW = _NUM_CORES * _NUM_SUBCORES


def _make_gather(S, D):
    assert S % _NW == 0
    n_pos = S // _NW
    CH = 32
    assert n_pos % CH == 0
    n_h = n_pos // CH
    assert n_h == 2
    C1 = _NUM_CB + 1

    mesh = plsc.VectorSubcoreMesh(core_axis_name="c", subcore_axis_name="s")

    @functools.partial(
        pl.kernel,
        mesh=mesh,
        out_type=jax.ShapeDtypeStruct((C1, S, D), jnp.float32),
        scratch_types=[
            pltpu.VMEM((C1, 2 * n_pos), jnp.int32),
            pltpu.VMEM((2, CH), jnp.int32),
            pltpu.VMEM((2, CH, D), jnp.float32),
            pltpu.SemaphoreType.DMA,
            pltpu.SemaphoreType.DMA,
        ],
    )
    def gather_kernel(tok_hbm, text_hbm, audio_hbm, out_hbm,
                      tok_v, idx_v, buf_v, sem0, sem1):
        sems = (sem0, sem1)
        cid = lax.axis_index("c")
        sid = lax.axis_index("s")
        wid = sid * _NUM_CORES + cid
        base = wid * n_pos

        pair_base = (wid // 2) * (2 * n_pos)
        tok_off = (wid % 2) * n_pos
        pltpu.sync_copy(tok_hbm.at[:, pl.ds(pair_base, 2 * n_pos)], tok_v)

        def fill_and_start(j, h, slot):
            off = jnp.where(j < _NUM_CB, j * _AUDIO_VOCAB, 0).astype(jnp.int32)
            lo = tok_v[j, pl.ds(tok_off + h * CH, _LANES)] + off
            hi = tok_v[j, pl.ds(tok_off + h * CH + _LANES, _LANES)] + off
            idx_v[slot, pl.ds(0, _LANES)] = lo
            idx_v[slot, pl.ds(_LANES, _LANES)] = hi

            @pl.when(j < _NUM_CB)
            def _():
                pltpu.async_copy(
                    audio_hbm.at[idx_v.at[slot]], buf_v.at[slot], sems[slot])

            @pl.when(j >= _NUM_CB)
            def _():
                pltpu.async_copy(
                    text_hbm.at[idx_v.at[slot]], buf_v.at[slot], sems[slot])

        def drain(slot):
            pltpu.make_async_copy(
                audio_hbm.at[idx_v.at[slot]], buf_v.at[slot],
                sems[slot]).wait()

        def write(j, h, slot):
            pltpu.sync_copy(
                buf_v.at[slot], out_hbm.at[j, pl.ds(base + h * CH, CH)])

        fill_and_start(0, 0, 0)
        fill_and_start(0, 1, 1)

        def step(j, _):
            drain(0)
            write(j, 0, 0)

            @pl.when(j + 1 < C1)
            def _():
                fill_and_start(j + 1, 0, 0)

            drain(1)
            write(j, 1, 1)

            @pl.when(j + 1 < C1)
            def _():
                fill_and_start(j + 1, 1, 1)

            return _

        lax.fori_loop(0, C1, step, None)

    return gather_kernel


def kernel(tokens, text_table, audio_table):
    B, S, C1 = tokens.shape
    D = text_table.shape[1]
    tok_t = tokens.reshape(S, C1).astype(jnp.int32).T
    out = _make_gather(S, D)(tok_t, text_table, audio_table)
    return out.transpose(1, 0, 2).reshape(B, S, C1, D)

# --- scband reference (transcript-rebuilt; emitter-appended) ---
"""Pipeline reference for scband-model-9972914061759 (READ-ONLY COPY).

The authoritative reference and input builder live on the scoring server;
editing this copy changes nothing except your own understanding.
"""

import jax, jax.numpy as jnp
import numpy as np

TEXT_VOCAB = 128256
AUDIO_VOCAB = 2051
NUM_CODEBOOKS = 32
EMBED_DIM = 1024


def setup_inputs(seed: int = 0) -> dict:
    key = jax.random.key(seed)
    k1, k2, k3 = jax.random.split(key, 3)
    tokens = jax.random.randint(k1, (1, 2048, NUM_CODEBOOKS + 1), 0, AUDIO_VOCAB, dtype=jnp.int64 if jax.config.read('jax_enable_x64') else jnp.int32)
    text_table = jax.random.normal(k2, (TEXT_VOCAB, EMBED_DIM), dtype=jnp.float32) * 0.02
    audio_table = jax.random.normal(k3, (AUDIO_VOCAB * NUM_CODEBOOKS, EMBED_DIM), dtype=jnp.float32) * 0.02
    return {"tokens": tokens, "text_table": text_table, "audio_table": audio_table}


def reference(tokens, text_table, audio_table):
    B, S, _ = tokens.shape
    # text embedding from last slot, unsqueeze at dim -2 -> [B, S, 1, D]
    text_embeds = jnp.take(text_table, tokens[:, :, -1], axis=0)[:, :, None, :]
    # audio tokens offset per-codebook into the fused audio table
    offsets = AUDIO_VOCAB * jnp.arange(NUM_CODEBOOKS, dtype=tokens.dtype)
    audio_tokens = tokens[:, :, :-1] + offsets
    audio_embeds = jnp.take(audio_table, audio_tokens.reshape(-1), axis=0).reshape(B, S, NUM_CODEBOOKS, -1)
    return jnp.concatenate([audio_embeds, text_embeds], axis=-2)

if __name__ == "__main__":
    import jax
    _d = setup_inputs()
    print(jax.jit(kernel)(*tuple(_d.values())))

</pallas_src>

<mosaic_0001>
#map = affine_map<(d0, d1) -> (0, 0)>
#map1 = affine_map<(d0, d1) -> (0, 0, 0)>
module attributes {stable_mosaic.version = 14 : i64} {
  func.func @gather_kernel(%arg0: i32, %arg1: i32, %arg2: memref<33x2048xi32, #tpu.memory_space<hbm>>, %arg3: memref<128256x1024xf32, #tpu.memory_space<hbm>>, %arg4: memref<65632x1024xf32, #tpu.memory_space<hbm>>, %arg5: memref<33x2048x1024xf32, #tpu.memory_space<hbm>>, %arg6: memref<33x128xi32, #tpu.memory_space<vmem>>, %arg7: memref<2x32xi32, #tpu.memory_space<vmem>>, %arg8: memref<2x32x1024xf32, #tpu.memory_space<vmem>>, %arg9: memref<!tpu.dma_semaphore, #tpu.memory_space<semaphore_mem>>, %arg10: memref<!tpu.dma_semaphore, #tpu.memory_space<semaphore_mem>>) attributes {dimension_semantics = [#tpu.dimension_semantics<core_parallel>, #tpu.dimension_semantics<subcore_parallel>], iteration_bounds = array<i64: 2, 16>, scalar_prefetch = 0 : i64, scratch_operands = 5 : i64, tpu.core_type = #tpu.core_type<sc_vector_subcore>, window_params = [{transform_indices = #map}, {transform_indices = #map}, {transform_indices = #map}, {transform_indices = #map1}]} {
    %mul3A = arith.constant 2 : i32
    %mul3A_0 = arith.muli %arg1, %mul3A : i32
    %add3A = arith.addi %mul3A_0, %arg0 : i32
    %mul3A_1 = arith.constant 64 : i32
    %mul3A_2 = arith.muli %add3A, %mul3A_1 : i32
    %jit3A = arith.constant 2 : i32
    %div3A = arith.divsi %add3A, %jit3A : i32
    %sign3A = arith.constant 0 : i32
    %sign3A_3 = arith.cmpi sgt, %add3A, %sign3A : i32
    %sign3A_4 = arith.extui %sign3A_3 : i1 to i32
    %sign3A_5 = arith.constant 0 : i32
    %sign3A_6 = arith.cmpi slt, %add3A, %sign3A_5 : i32
    %sign3A_7 = arith.extui %sign3A_6 : i1 to i32
    %sign3A_8 = arith.subi %sign3A_4, %sign3A_7 : i32
    %sign3A_9 = arith.constant 0 : i32
    %sign3A_10 = arith.cmpi sgt, %jit3A, %sign3A_9 : i32
    %sign3A_11 = arith.extui %sign3A_10 : i1 to i32
    %sign3A_12 = arith.constant 0 : i32
    %sign3A_13 = arith.cmpi slt, %jit3A, %sign3A_12 : i32
    %sign3A_14 = arith.extui %sign3A_13 : i1 to i32
    %sign3A_15 = arith.subi %sign3A_11, %sign3A_14 : i32
    %ne3A = arith.cmpi ne, %sign3A_8, %sign3A_15 : i32
    %rem3A = arith.remsi %add3A, %jit3A : i32
    %ne3A_16 = arith.constant 0 : i32
    %ne3A_17 = arith.cmpi ne, %rem3A, %ne3A_16 : i32
    %and3A = arith.andi %ne3A, %ne3A_17 : i1
    %sub3A = arith.constant 1 : i32
    %sub3A_18 = arith.subi %div3A, %sub3A : i32
    %select_n3A = arith.select %and3A, %sub3A_18, %div3A : i32
    %mul3A_19 = arith.constant 128 : i32
    %mul3A_20 = arith.muli %select_n3A, %mul3A_19 : i32
    %jit3A_21 = arith.constant 2 : i32
    %eq3A = arith.constant 0 : i32
    %eq3A_22 = arith.cmpi eq, %jit3A_21, %eq3A : i32
    %jit3A_23 = arith.constant 1 : i32
    %select_n3A_24 = arith.select %eq3A_22, %jit3A_23, %jit3A_21 : i32
    %rem3A_25 = arith.remsi %add3A, %select_n3A_24 : i32
    %ne3A_26 = arith.constant 0 : i32
    %ne3A_27 = arith.cmpi ne, %rem3A_25, %ne3A_26 : i32
    %lt3A = arith.constant 0 : i32
    %lt3A_28 = arith.cmpi slt, %rem3A_25, %lt3A : i32
    %lt3A_29 = arith.constant 0 : i32
    %lt3A_30 = arith.cmpi slt, %select_n3A_24, %lt3A_29 : i32
    %ne3A_31 = arith.xori %lt3A_28, %lt3A_30 : i1
    %and3A_32 = arith.andi %ne3A_31, %ne3A_27 : i1
    %add3A_33 = arith.addi %rem3A_25, %select_n3A_24 : i32
    %select_n3A_34 = arith.select %and3A_32, %add3A_33, %rem3A_25 : i32
    %mul3A_35 = arith.constant 64 : i32
    %mul3A_36 = arith.muli %select_n3A_34, %mul3A_35 : i32
    "tpu.region"() ({
      %run_scoped3A = tpu.sem_alloc : memref<!tpu.dma_semaphore, #tpu.memory_space<semaphore_mem>>
      %dma_start3A_134 = arith.constant 0 : i32
      %dma_start3A_135 = tpu.memref_slice %arg2[%dma_start3A_134, %mul3A_20] : memref<33x2048xi32, #tpu.memory_space<hbm>> -> memref<33x128xi32, #tpu.memory_space<hbm>>
      %dma_start3A_136 = arith.constant 0 : i32
      %dma_start3A_137 = tpu.memref_slice %arg2[%dma_start3A_136, %mul3A_20] : memref<33x2048xi32, #tpu.memory_space<hbm>> -> memref<33x128xi32, #tpu.memory_space<hbm>>
      tpu.enqueue_dma source(%dma_start3A_137 : memref<33x128xi32, #tpu.memory_space<hbm>>) target(%arg6 : memref<33x128xi32, #tpu.memory_space<vmem>>) target_semaphore(%run_scoped3A : memref<!tpu.dma_semaphore, #tpu.memory_space<semaphore_mem>>)
      %dma_wait3A = arith.constant 0 : i32
      %dma_wait3A_138 = tpu.memref_slice %arg2[%dma_wait3A, %mul3A_20] : memref<33x2048xi32, #tpu.memory_space<hbm>> -> memref<33x128xi32, #tpu.memory_space<hbm>>
      %dma_wait3A_139 = arith.constant 0 : i32
      %dma_wait3A_140 = tpu.memref_slice %arg2[%dma_wait3A_139, %mul3A_20] : memref<33x2048xi32, #tpu.memory_space<hbm>> -> memref<33x128xi32, #tpu.memory_space<hbm>>
      tpu.wait_dma2 semaphore(%run_scoped3A : memref<!tpu.dma_semaphore, #tpu.memory_space<semaphore_mem>>) src(%dma_wait3A_140 : memref<33x128xi32, #tpu.memory_space<hbm>>) dst(%arg6 : memref<33x128xi32, #tpu.memory_space<vmem>>)
      tpu.yield
    }) : () -> ()
    %jit3A_37 = arith.constant true
    %jit3A_38 = arith.constant 0 : i32
    %jit3A_39 = arith.constant 0 : i32
    %select_n3A_40 = arith.select %jit3A_37, %jit3A_38, %jit3A_39 : i32
    %add3A_41 = arith.constant 0 : i32
    %add3A_42 = arith.addi %mul3A_36, %add3A_41 : i32
    %get3A = arith.constant 0 : i32
    %get3A_43 = arith.index_cast %get3A : i32 to index
    %get3A_44 = arith.index_cast %add3A_42 : i32 to index
    %get3A_45 = tpu.vector_load %arg6[%get3A_43, %get3A_44] {strides = array<i32>} : memref<33x128xi32, #tpu.memory_space<vmem>>, vector<1x16xi32>,
    %get3A_46 = vector.shape_cast %get3A_45 : vector<1x16xi32> to vector<16xi32>
    %add3A_47 = vector.broadcast %select_n3A_40 : i32 to vector<16xi32>
    %add3A_48 = arith.addi %get3A_46, %add3A_47 : vector<16xi32>
    %add3A_49 = arith.constant 0 : i32
    %add3A_50 = arith.addi %mul3A_36, %add3A_49 : i32
    %add3A_51 = arith.constant 16 : i32
    %add3A_52 = arith.addi %add3A_50, %add3A_51 : i32
    %get3A_53 = arith.constant 0 : i32
    %get3A_54 = arith.index_cast %get3A_53 : i32 to index
    %get3A_55 = arith.index_cast %add3A_52 : i32 to index
    %get3A_56 = tpu.vector_load %arg6[%get3A_54, %get3A_55] {strides = array<i32>} : memref<33x128xi32, #tpu.memory_space<vmem>>, vector<1x16xi32>,
    %get3A_57 = vector.shape_cast %get3A_56 : vector<1x16xi32> to vector<16xi32>
    %add3A_58 = vector.broadcast %select_n3A_40 : i32 to vector<16xi32>
    %add3A_59 = arith.addi %get3A_57, %add3A_58 : vector<16xi32>
    %swap3A = arith.constant 0 : i32
    %swap3A_60 = arith.index_cast %swap3A : i32 to index
    %swap3A_61 = arith.constant 0 : index
    %swap3A_62 = tpu.vector_load %arg7[%swap3A_60, %swap3A_61] {strides = array<i32>} : memref<2x32xi32, #tpu.memory_space<vmem>>, vector<1x16xi32>,
    %swap3A_63 = vector.shape_cast %swap3A_62 : vector<1x16xi32> to vector<16xi32>
    %swap3A_64 = vector.shape_cast %add3A_48 : vector<16xi32> to vector<1x16xi32>
    tpu.vector_store %arg7[%swap3A_60, %swap3A_61], %swap3A_64 {strides = array<i32>} : memref<2x32xi32, #tpu.memory_space<vmem>>, vector<1x16xi32>,
    %swap3A_65 = arith.constant 0 : i32
    %swap3A_66 = arith.index_cast %swap3A_65 : i32 to index
    %swap3A_67 = arith.constant 16 : index
    %swap3A_68 = tpu.vector_load %arg7[%swap3A_66, %swap3A_67] {strides = array<i32>} : memref<2x32xi32, #tpu.memory_space<vmem>>, vector<1x16xi32>,
    %swap3A_69 = vector.shape_cast %swap3A_68 : vector<1x16xi32> to vector<16xi32>
    %swap3A_70 = vector.shape_cast %add3A_59 : vector<16xi32> to vector<1x16xi32>
    tpu.vector_store %arg7[%swap3A_66, %swap3A_67], %swap3A_70 {strides = array<i32>} : memref<2x32xi32, #tpu.memory_space<vmem>>, vector<1x16xi32>,
    %dma_start3A = arith.constant 0 : i32
    %dma_start3A_71 = arith.constant 0 : i32
    %dma_start3A_72 = arith.constant 0 : i32
    %dma_start3A_73 = arith.constant 0 : i32
    %dma_start3A_74 = tpu.memref_slice %arg8[%dma_start3A_71, %dma_start3A_72, %dma_start3A_73] : memref<2x32x1024xf32, #tpu.memory_space<vmem>> -> memref<1x32x1024xf32, #tpu.memory_space<vmem>>
    %dma_start3A_75 = tpu.memref_squeeze %dma_start3A_74 : memref<1x32x1024xf32, #tpu.memory_space<vmem>> -> memref<32x1024xf32, #tpu.memory_space<vmem>>
    %dma_start3A_76 = arith.constant 0 : i32
    %dma_start3A_77 = tpu.memref_slice %arg7[%dma_start3A, %dma_start3A_76] : memref<2x32xi32, #tpu.memory_space<vmem>> -> memref<1x32xi32, #tpu.memory_space<vmem>>
    %dma_start3A_78 = tpu.memref_squeeze %dma_start3A_77 : memref<1x32xi32, #tpu.memory_space<vmem>> -> memref<32xi32, #tpu.memory_space<vmem>>
    %dma_start3A_79 = arith.constant 0 : i32
    %dma_start3A_80 = arith.constant 0 : i32
    %dma_start3A_81 = tpu.memref_slice %arg4[%dma_start3A_79, %dma_start3A_80] : memref<65632x1024xf32, #tpu.memory_space<hbm>> -> memref<65632x1024xf32, #tpu.memory_space<hbm>>
    tpu.enqueue_indirect_dma source(%dma_start3A_81 : memref<65632x1024xf32, #tpu.memory_space<hbm>>) target(%dma_start3A_75 : memref<32x1024xf32, #tpu.memory_space<vmem>>) offsets(%dma_start3A_78 : memref<32xi32, #tpu.memory_space<vmem>>) semaphore(%arg9 : memref<!tpu.dma_semaphore, #tpu.memory_space<semaphore_mem>>)
    %jit3A_82 = arith.constant true
    %jit3A_83 = arith.constant 0 : i32
    %jit3A_84 = arith.constant 0 : i32
    %select_n3A_85 = arith.select %jit3A_82, %jit3A_83, %jit3A_84 : i32
    %add3A_86 = arith.constant 32 : i32
    %add3A_87 = arith.addi %mul3A_36, %add3A_86 : i32
    %get3A_88 = arith.constant 0 : i32
    %get3A_89 = arith.index_cast %get3A_88 : i32 to index
    %get3A_90 = arith.index_cast %add3A_87 : i32 to index
    %get3A_91 = tpu.vector_load %arg6[%get3A_89, %get3A_90] {strides = array<i32>} : memref<33x128xi32, #tpu.memory_space<vmem>>, vector<1x16xi32>,
    %get3A_92 = vector.shape_cast %get3A_91 : vector<1x16xi32> to vector<16xi32>
    %add3A_93 = vector.broadcast %select_n3A_85 : i32 to vector<16xi32>
    %add3A_94 = arith.addi %get3A_92, %add3A_93 : vector<16xi32>
    %add3A_95 = arith.constant 32 : i32
    %add3A_96 = arith.addi %mul3A_36, %add3A_95 : i32
    %add3A_97 = arith.constant 16 : i32
    %add3A_98 = arith.addi %add3A_96, %add3A_97 : i32
    %get3A_99 = arith.constant 0 : i32
    %get3A_100 = arith.index_cast %get3A_99 : i32 to index
    %get3A_101 = arith.index_cast %add3A_98 : i32 to index
    %get3A_102 = tpu.vector_load %arg6[%get3A_100, %get3A_101] {strides = array<i32>} : memref<33x128xi32, #tpu.memory_space<vmem>>, vector<1x16xi32>,
    %get3A_103 = vector.shape_cast %get3A_102 : vector<1x16xi32> to vector<16xi32>
    %add3A_104 = vector.broadcast %select_n3A_85 : i32 to vector<16xi32>
    %add3A_105 = arith.addi %get3A_103, %add3A_104 : vector<16xi32>
    %swap3A_106 = arith.constant 1 : i32
    %swap3A_107 = arith.index_cast %swap3A_106 : i32 to index
    %swap3A_108 = arith.constant 0 : index
    %swap3A_109 = tpu.vector_load %arg7[%swap3A_107, %swap3A_108] {strides = array<i32>} : memref<2x32xi32, #tpu.memory_space<vmem>>, vector<1x16xi32>,
    %swap3A_110 = vector.shape_cast %swap3A_109 : vector<1x16xi32> to vector<16xi32>
    %swap3A_111 = vector.shape_cast %add3A_94 : vector<16xi32> to vector<1x16xi32>
    tpu.vector_store %arg7[%swap3A_107, %swap3A_108], %swap3A_111 {strides = array<i32>} : memref<2x32xi32, #tpu.memory_space<vmem>>, vector<1x16xi32>,
    %swap3A_112 = arith.constant 1 : i32
    %swap3A_113 = arith.index_cast %swap3A_112 : i32 to index
    %swap3A_114 = arith.constant 16 : index
    %swap3A_115 = tpu.vector_load %arg7[%swap3A_113, %swap3A_114] {strides = array<i32>} : memref<2x32xi32, #tpu.memory_space<vmem>>, vector<1x16xi32>,
    %swap3A_116 = vector.shape_cast %swap3A_115 : vector<1x16xi32> to vector<16xi32>
    %swap3A_117 = vector.shape_cast %add3A_105 : vector<16xi32> to vector<1x16xi32>
    tpu.vector_store %arg7[%swap3A_113, %swap3A_114], %swap3A_117 {strides = array<i32>} : memref<2x32xi32, #tpu.memory_space<vmem>>, vector<1x16xi32>,
    %dma_start3A_118 = arith.constant 1 : i32
    %dma_start3A_119 = arith.constant 1 : i32
    %dma_start3A_120 = arith.constant 0 : i32
    %dma_start3A_121 = arith.constant 0 : i32
    %dma_start3A_122 = tpu.memref_slice %arg8[%dma_start3A_119, %dma_start3A_120, %dma_start3A_121] : memref<2x32x1024xf32, #tpu.memory_space<vmem>> -> memref<1x32x1024xf32, #tpu.memory_space<vmem>>
    %dma_start3A_123 = tpu.memref_squeeze %dma_start3A_122 : memref<1x32x1024xf32, #tpu.memory_space<vmem>> -> memref<32x1024xf32, #tpu.memory_space<vmem>>
    %dma_start3A_124 = arith.constant 0 : i32
    %dma_start3A_125 = tpu.memref_slice %arg7[%dma_start3A_118, %dma_start3A_124] : memref<2x32xi32, #tpu.memory_space<vmem>> -> memref<1x32xi32, #tpu.memory_space<vmem>>
    %dma_start3A_126 = tpu.memref_squeeze %dma_start3A_125 : memref<1x32xi32, #tpu.memory_space<vmem>> -> memref<32xi32, #tpu.memory_space<vmem>>
    %dma_start3A_127 = arith.constant 0 : i32
    %dma_start3A_128 = arith.constant 0 : i32
    %dma_start3A_129 = tpu.memref_slice %arg4[%dma_start3A_127, %dma_start3A_128] : memref<65632x1024xf32, #tpu.memory_space<hbm>> -> memref<65632x1024xf32, #tpu.memory_space<hbm>>
    tpu.enqueue_indirect_dma source(%dma_start3A_129 : memref<65632x1024xf32, #tpu.memory_space<hbm>>) target(%dma_start3A_123 : memref<32x1024xf32, #tpu.memory_space<vmem>>) offsets(%dma_start3A_126 : memref<32xi32, #tpu.memory_space<vmem>>) semaphore(%arg10 : memref<!tpu.dma_semaphore, #tpu.memory_space<semaphore_mem>>)
    %scan3A = arith.constant 0 : i32
    %scan3A_130 = arith.constant 33 : i32
    %scan3A_131 = arith.addi %scan3A, %scan3A_130 : i32
    %scan3A_132 = arith.constant 1 : i32
    scf.for %scan3A_134 = %scan3A to %scan3A_131 step %scan3A_132  : i32 {
      %dma_wait3A = arith.constant 0 : i32
      %dma_wait3A_135 = arith.constant 0 : i32
      %dma_wait3A_136 = arith.constant 0 : i32
      %dma_wait3A_137 = arith.constant 0 : i32
      %dma_wait3A_138 = tpu.memref_slice %arg8[%dma_wait3A_135, %dma_wait3A_136, %dma_wait3A_137] : memref<2x32x1024xf32, #tpu.memory_space<vmem>> -> memref<1x32x1024xf32, #tpu.memory_space<vmem>>
      %dma_wait3A_139 = tpu.memref_squeeze %dma_wait3A_138 : memref<1x32x1024xf32, #tpu.memory_space<vmem>> -> memref<32x1024xf32, #tpu.memory_space<vmem>>
      %dma_wait3A_140 = arith.constant 0 : i32
      %dma_wait3A_141 = tpu.memref_slice %arg7[%dma_wait3A, %dma_wait3A_140] : memref<2x32xi32, #tpu.memory_space<vmem>> -> memref<1x32xi32, #tpu.memory_space<vmem>>
      %dma_wait3A_142 = tpu.memref_squeeze %dma_wait3A_141 : memref<1x32xi32, #tpu.memory_space<vmem>> -> memref<32xi32, #tpu.memory_space<vmem>>
      %dma_wait3A_143 = arith.constant 0 : i32
      %dma_wait3A_144 = arith.constant 0 : i32
      %dma_wait3A_145 = tpu.memref_slice %arg4[%dma_wait3A_143, %dma_wait3A_144] : memref<65632x1024xf32, #tpu.memory_space<hbm>> -> memref<65632x1024xf32, #tpu.memory_space<hbm>>
      tpu.wait_indirect_dma semaphore(%arg9 : memref<!tpu.dma_semaphore, #tpu.memory_space<semaphore_mem>>) src(%dma_wait3A_145 : memref<65632x1024xf32, #tpu.memory_space<hbm>>) dst(%dma_wait3A_139 : memref<32x1024xf32, #tpu.memory_space<vmem>>)
      %add3A_146 = arith.constant 0 : i32
      %add3A_147 = arith.addi %mul3A_2, %add3A_146 : i32
      %run_scoped3A = arith.constant 0 : i32
      "tpu.region"() ({
        %run_scoped3A_175 = tpu.sem_alloc : memref<!tpu.dma_semaphore, #tpu.memory_space<semaphore_mem>>
        %dma_start3A_176 = arith.constant 0 : i32
        %dma_start3A_177 = arith.constant 0 : i32
        %dma_start3A_178 = tpu.memref_slice %arg8[%run_scoped3A, %dma_start3A_176, %dma_start3A_177] : memref<2x32x1024xf32, #tpu.memory_space<vmem>> -> memref<1x32x1024xf32, #tpu.memory_space<vmem>>
        %dma_start3A_179 = tpu.memref_squeeze %dma_start3A_178 : memref<1x32x1024xf32, #tpu.memory_space<vmem>> -> memref<32x1024xf32, #tpu.memory_space<vmem>>
        %dma_start3A_180 = arith.constant 0 : i32
        %dma_start3A_181 = tpu.memref_slice %arg5[%scan3A_134, %add3A_147, %dma_start3A_180] : memref<33x2048x1024xf32, #tpu.memory_space<hbm>> -> memref<1x32x1024xf32, #tpu.memory_space<hbm>>
        %dma_start3A_182 = tpu.memref_squeeze %dma_start3A_181 : memref<1x32x1024xf32, #tpu.memory_space<hbm>> -> memref<32x1024xf32, #tpu.memory_space<hbm>>
        %dma_start3A_183 = arith.constant 0 : i32
        %dma_start3A_184 = tpu.memref_slice %arg5[%scan3A_134, %add3A_147, %dma_start3A_183] : memref<33x2048x1024xf32, #tpu.memory_space<hbm>> -> memref<1x32x1024xf32, #tpu.memory_space<hbm>>
        %dma_start3A_185 = tpu.memref_squeeze %dma_start3A_184 : memref<1x32x1024xf32, #tpu.memory_space<hbm>> -> memref<32x1024xf32, #tpu.memory_space<hbm>>
        %dma_start3A_186 = arith.constant 0 : i32
        %dma_start3A_187 = arith.constant 0 : i32
        %dma_start3A_188 = tpu.memref_slice %arg8[%run_scoped3A, %dma_start3A_186, %dma_start3A_187] : memref<2x32x1024xf32, #tpu.memory_space<vmem>> -> memref<1x32x1024xf32, #tpu.memory_space<vmem>>
        %dma_start3A_189 = tpu.memref_squeeze %dma_start3A_188 : memref<1x32x1024xf32, #tpu.memory_space<vmem>> -> memref<32x1024xf32, #tpu.memory_space<vmem>>
        tpu.enqueue_dma source(%dma_start3A_189 : memref<32x1024xf32, #tpu.memory_space<vmem>>) target(%dma_start3A_185 : memref<32x1024xf32, #tpu.memory_space<hbm>>) target_semaphore(%run_scoped3A_175 : memref<!tpu.dma_semaphore, #tpu.memory_space<semaphore_mem>>)
        %dma_wait3A_190 = arith.constant 0 : i32
        %dma_wait3A_191 = arith.constant 0 : i32
        %dma_wait3A_192 = tpu.memref_slice %arg8[%run_scoped3A, %dma_wait3A_190, %dma_wait3A_191] : memref<2x32x1024xf32, #tpu.memory_space<vmem>> -> memref<1x32x1024xf32, #tpu.memory_space<vmem>>
        %dma_wait3A_193 = tpu.memref_squeeze %dma_wait3A_192 : memref<1x32x1024xf32, #tpu.memory_space<vmem>> -> memref<32x1024xf32, #tpu.memory_space<vmem>>
        %dma_wait3A_194 = arith.constant 0 : i32
        %dma_wait3A_195 = tpu.memref_slice %arg5[%scan3A_134, %add3A_147, %dma_wait3A_194] : memref<33x2048x1024xf32, #tpu.memory_space<hbm>> -> memref<1x32x1024xf32, #tpu.memory_space<hbm>>
        %dma_wait3A_196 = tpu.memref_squeeze %dma_wait3A_195 : memref<1x32x1024xf32, #tpu.memory_space<hbm>> -> memref<32x1024xf32, #tpu.memory_space<hbm>>
        %dma_wait3A_197 = arith.constant 0 : i32
        %dma_wait3A_198 = tpu.memref_slice %arg5[%scan3A_134, %add3A_147, %dma_wait3A_197] : memref<33x2048x1024xf32, #tpu.memory_space<hbm>> -> memref<1x32x1024xf32, #tpu.memory_space<hbm>>
        %dma_wait3A_199 = tpu.memref_squeeze %dma_wait3A_198 : memref<1x32x1024xf32, #tpu.memory_space<hbm>> -> memref<32x1024xf32, #tpu.memory_space<hbm>>
        %dma_wait3A_200 = arith.constant 0 : i32
        %dma_wait3A_201 = arith.constant 0 : i32
        %dma_wait3A_202 = tpu.memref_slice %arg8[%run_scoped3A, %dma_wait3A_200, %dma_wait3A_201] : memref<2x32x1024xf32, #tpu.memory_space<vmem>> -> memref<1x32x1024xf32, #tpu.memory_space<vmem>>
        %dma_wait3A_203 = tpu.memref_squeeze %dma_wait3A_202 : memref<1x32x1024xf32, #tpu.memory_space<vmem>> -> memref<32x1024xf32, #tpu.memory_space<vmem>>
        tpu.wait_dma2 semaphore(%run_scoped3A_175 : memref<!tpu.dma_semaphore, #tpu.memory_space<semaphore_mem>>) src(%dma_wait3A_203 : memref<32x1024xf32, #tpu.memory_space<vmem>>) dst(%dma_wait3A_199 : memref<32x1024xf32, #tpu.memory_space<hbm>>)
        tpu.yield
      }) : () -> ()
      %add3A_148 = arith.constant 1 : i32
      %add3A_149 = arith.addi %scan3A_134, %add3A_148 : i32
      %lt3A_150 = arith.constant 33 : i32
      %lt3A_151 = arith.cmpi slt, %add3A_149, %lt3A_150 : i32
      %convert_element_type3A = arith.extui %lt3A_151 : i1 to i32
      %cond3A = arith.constant 0 : i32
      %cond3A_152 = arith.cmpi ne, %convert_element_type3A, %cond3A : i32
      scf.if %cond3A_152 {
        %add3A_175 = arith.constant 1 : i32
        %add3A_176 = arith.addi %scan3A_134, %add3A_175 : i32
        %lt3A_177 = arith.constant 32 : i32
        %lt3A_178 = arith.cmpi slt, %add3A_176, %lt3A_177 : i32
        %mul3A_179 = arith.constant 2051 : i32
        %mul3A_180 = arith.muli %add3A_176, %mul3A_179 : i32
        %jit3A_181 = arith.constant 0 : i32
        %select_n3A_182 = arith.select %lt3A_178, %mul3A_180, %jit3A_181 : i32
        %add3A_183 = arith.constant 0 : i32
        %add3A_184 = arith.addi %mul3A_36, %add3A_183 : i32
        %get3A_185 = arith.index_cast %add3A_176 : i32 to index
        %get3A_186 = arith.index_cast %add3A_184 : i32 to index
        %get3A_187 = tpu.vector_load %arg6[%get3A_185, %get3A_186] {strides = array<i32>} : memref<33x128xi32, #tpu.memory_space<vmem>>, vector<1x16xi32>,
        %get3A_188 = vector.shape_cast %get3A_187 : vector<1x16xi32> to vector<16xi32>
        %add3A_189 = vector.broadcast %select_n3A_182 : i32 to vector<16xi32>
        %add3A_190 = arith.addi %get3A_188, %add3A_189 : vector<16xi32>
        %add3A_191 = arith.constant 0 : i32
        %add3A_192 = arith.addi %mul3A_36, %add3A_191 : i32
        %add3A_193 = arith.constant 16 : i32
        %add3A_194 = arith.addi %add3A_192, %add3A_193 : i32
        %get3A_195 = arith.index_cast %add3A_176 : i32 to index
        %get3A_196 = arith.index_cast %add3A_194 : i32 to index
        %get3A_197 = tpu.vector_load %arg6[%get3A_195, %get3A_196] {strides = array<i32>} : memref<33x128xi32, #tpu.memory_space<vmem>>, vector<1x16xi32>,
        %get3A_198 = vector.shape_cast %get3A_197 : vector<1x16xi32> to vector<16xi32>
        %add3A_199 = vector.broadcast %select_n3A_182 : i32 to vector<16xi32>
        %add3A_200 = arith.addi %get3A_198, %add3A_199 : vector<16xi32>
        %swap3A_201 = arith.constant 0 : i32
        %swap3A_202 = arith.index_cast %swap3A_201 : i32 to index
        %swap3A_203 = arith.constant 0 : index
        %swap3A_204 = tpu.vector_load %arg7[%swap3A_202, %swap3A_203] {strides = array<i32>} : memref<2x32xi32, #tpu.memory_space<vmem>>, vector<1x16xi32>,
        %swap3A_205 = vector.shape_cast %swap3A_204 : vector<1x16xi32> to vector<16xi32>
        %swap3A_206 = vector.shape_cast %add3A_190 : vector<16xi32> to vector<1x16xi32>
        tpu.vector_store %arg7[%swap3A_202, %swap3A_203], %swap3A_206 {strides = array<i32>} : memref<2x32xi32, #tpu.memory_space<vmem>>, vector<1x16xi32>,
        %swap3A_207 = arith.constant 0 : i32
        %swap3A_208 = arith.index_cast %swap3A_207 : i32 to index
        %swap3A_209 = arith.constant 16 : index
        %swap3A_210 = tpu.vector_load %arg7[%swap3A_208, %swap3A_209] {strides = array<i32>} : memref<2x32xi32, #tpu.memory_space<vmem>>, vector<1x16xi32>,
        %swap3A_211 = vector.shape_cast %swap3A_210 : vector<1x16xi32> to vector<16xi32>
        %swap3A_212 = vector.shape_cast %add3A_200 : vector<16xi32> to vector<1x16xi32>
        tpu.vector_store %arg7[%swap3A_208, %swap3A_209], %swap3A_212 {strides = array<i32>} : memref<2x32xi32, #tpu.memory_space<vmem>>, vector<1x16xi32>,
        %lt3A_213 = arith.constant 32 : i32
        %lt3A_214 = arith.cmpi slt, %add3A_176, %lt3A_213 : i32
        %convert_element_type3A_215 = arith.extui %lt3A_214 : i1 to i32
        %cond3A_216 = arith.constant 0 : i32
        %cond3A_217 = arith.cmpi ne, %convert_element_type3A_215, %cond3A_216 : i32
        scf.if %cond3A_217 {
          %dma_start3A_222 = arith.constant 0 : i32
          %dma_start3A_223 = arith.constant 0 : i32
          %dma_start3A_224 = arith.constant 0 : i32
          %dma_start3A_225 = arith.constant 0 : i32
          %dma_start3A_226 = tpu.memref_slice %arg8[%dma_start3A_223, %dma_start3A_224, %dma_start3A_225] : memref<2x32x1024xf32, #tpu.memory_space<vmem>> -> memref<1x32x1024xf32, #tpu.memory_space<vmem>>
          %dma_start3A_227 = tpu.memref_squeeze %dma_start3A_226 : memref<1x32x1024xf32, #tpu.memory_space<vmem>> -> memref<32x1024xf32, #tpu.memory_space<vmem>>
          %dma_start3A_228 = arith.constant 0 : i32
          %dma_start3A_229 = tpu.memref_slice %arg7[%dma_start3A_222, %dma_start3A_228] : memref<2x32xi32, #tpu.memory_space<vmem>> -> memref<1x32xi32, #tpu.memory_space<vmem>>
          %dma_start3A_230 = tpu.memref_squeeze %dma_start3A_229 : memref<1x32xi32, #tpu.memory_space<vmem>> -> memref<32xi32, #tpu.memory_space<vmem>>
          %dma_start3A_231 = arith.constant 0 : i32
          %dma_start3A_232 = arith.constant 0 : i32
          %dma_start3A_233 = tpu.memref_slice %arg4[%dma_start3A_231, %dma_start3A_232] : memref<65632x1024xf32, #tpu.memory_space<hbm>> -> memref<65632x1024xf32, #tpu.memory_space<hbm>>
          tpu.enqueue_indirect_dma source(%dma_start3A_233 : memref<65632x1024xf32, #tpu.memory_space<hbm>>) target(%dma_start3A_227 : memref<32x1024xf32, #tpu.memory_space<vmem>>) offsets(%dma_start3A_230 : memref<32xi32, #tpu.memory_space<vmem>>) semaphore(%arg9 : memref<!tpu.dma_semaphore, #tpu.memory_space<semaphore_mem>>)
        } else {
        }
        %ge3A = arith.constant 32 : i32
        %ge3A_218 = arith.cmpi sge, %add3A_176, %ge3A : i32
        %convert_element_type3A_219 = arith.extui %ge3A_218 : i1 to i32
        %cond3A_220 = arith.constant 0 : i32
        %cond3A_221 = arith.cmpi ne, %convert_element_type3A_219, %cond3A_220 : i32
        scf.if %cond3A_221 {
          %dma_start3A_222 = arith.constant 0 : i32
          %dma_start3A_223 = arith.constant 0 : i32
          %dma_start3A_224 = arith.constant 0 : i32
          %dma_start3A_225 = arith.constant 0 : i32
          %dma_start3A_226 = tpu.memref_slice %arg8[%dma_start3A_223, %dma_start3A_224, %dma_start3A_225] : memref<2x32x1024xf32, #tpu.memory_space<vmem>> -> memref<1x32x1024xf32, #tpu.memory_space<vmem>>
          %dma_start3A_227 = tpu.memref_squeeze %dma_start3A_226 : memref<1x32x1024xf32, #tpu.memory_space<vmem>> -> memref<32x1024xf32, #tpu.memory_space<vmem>>
          %dma_start3A_228 = arith.constant 0 : i32
          %dma_start3A_229 = tpu.memref_slice %arg7[%dma_start3A_222, %dma_start3A_228] : memref<2x32xi32, #tpu.memory_space<vmem>> -> memref<1x32xi32, #tpu.memory_space<vmem>>
          %dma_start3A_230 = tpu.memref_squeeze %dma_start3A_229 : memref<1x32xi32, #tpu.memory_space<vmem>> -> memref<32xi32, #tpu.memory_space<vmem>>
          %dma_start3A_231 = arith.constant 0 : i32
          %dma_start3A_232 = arith.constant 0 : i32
          %dma_start3A_233 = tpu.memref_slice %arg3[%dma_start3A_231, %dma_start3A_232] : memref<128256x1024xf32, #tpu.memory_space<hbm>> -> memref<128256x1024xf32, #tpu.memory_space<hbm>>
          tpu.enqueue_indirect_dma source(%dma_start3A_233 : memref<128256x1024xf32, #tpu.memory_space<hbm>>) target(%dma_start3A_227 : memref<32x1024xf32, #tpu.memory_space<vmem>>) offsets(%dma_start3A_230 : memref<32xi32, #tpu.memory_space<vmem>>) semaphore(%arg9 : memref<!tpu.dma_semaphore, #tpu.memory_space<semaphore_mem>>)
        } else {
        }
      } else {
      }
      %dma_wait3A_153 = arith.constant 1 : i32
      %dma_wait3A_154 = arith.constant 1 : i32
      %dma_wait3A_155 = arith.constant 0 : i32
      %dma_wait3A_156 = arith.constant 0 : i32
      %dma_wait3A_157 = tpu.memref_slice %arg8[%dma_wait3A_154, %dma_wait3A_155, %dma_wait3A_156] : memref<2x32x1024xf32, #tpu.memory_space<vmem>> -> memref<1x32x1024xf32, #tpu.memory_space<vmem>>
      %dma_wait3A_158 = tpu.memref_squeeze %dma_wait3A_157 : memref<1x32x1024xf32, #tpu.memory_space<vmem>> -> memref<32x1024xf32, #tpu.memory_space<vmem>>
      %dma_wait3A_159 = arith.constant 0 : i32
      %dma_wait3A_160 = tpu.memref_slice %arg7[%dma_wait3A_153, %dma_wait3A_159] : memref<2x32xi32, #tpu.memory_space<vmem>> -> memref<1x32xi32, #tpu.memory_space<vmem>>
      %dma_wait3A_161 = tpu.memref_squeeze %dma_wait3A_160 : memref<1x32xi32, #tpu.memory_space<vmem>> -> memref<32xi32, #tpu.memory_space<vmem>>
      %dma_wait3A_162 = arith.constant 0 : i32
      %dma_wait3A_163 = arith.constant 0 : i32
      %dma_wait3A_164 = tpu.memref_slice %arg4[%dma_wait3A_162, %dma_wait3A_163] : memref<65632x1024xf32, #tpu.memory_space<hbm>> -> memref<65632x1024xf32, #tpu.memory_space<hbm>>
      tpu.wait_indirect_dma semaphore(%arg10 : memref<!tpu.dma_semaphore, #tpu.memory_space<semaphore_mem>>) src(%dma_wait3A_164 : memref<65632x1024xf32, #tpu.memory_space<hbm>>) dst(%dma_wait3A_158 : memref<32x1024xf32, #tpu.memory_space<vmem>>)
      %add3A_165 = arith.constant 32 : i32
      %add3A_166 = arith.addi %mul3A_2, %add3A_165 : i32
      %run_scoped3A_167 = arith.constant 1 : i32
      "tpu.region"() ({
        %run_scoped3A_175 = tpu.sem_alloc : memref<!tpu.dma_semaphore, #tpu.memory_space<semaphore_mem>>
        %dma_start3A_176 = arith.constant 0 : i32
        %dma_start3A_177 = arith.constant 0 : i32
        %dma_start3A_178 = tpu.memref_slice %arg8[%run_scoped3A_167, %dma_start3A_176, %dma_start3A_177] : memref<2x32x1024xf32, #tpu.memory_space<vmem>> -> memref<1x32x1024xf32, #tpu.memory_space<vmem>>
        %dma_start3A_179 = tpu.memref_squeeze %dma_start3A_178 : memref<1x32x1024xf32, #tpu.memory_space<vmem>> -> memref<32x1024xf32, #tpu.memory_space<vmem>>
        %dma_start3A_180 = arith.constant 0 : i32
        %dma_start3A_181 = tpu.memref_slice %arg5[%scan3A_134, %add3A_166, %dma_start3A_180] : memref<33x2048x1024xf32, #tpu.memory_space<hbm>> -> memref<1x32x1024xf32, #tpu.memory_space<hbm>>
        %dma_start3A_182 = tpu.memref_squeeze %dma_start3A_181 : memref<1x32x1024xf32, #tpu.memory_space<hbm>> -> memref<32x1024xf32, #tpu.memory_space<hbm>>
        %dma_start3A_183 = arith.constant 0 : i32
        %dma_start3A_184 = tpu.memref_slice %arg5[%scan3A_134, %add3A_166, %dma_start3A_183] : memref<33x2048x1024xf32, #tpu.memory_space<hbm>> -> memref<1x32x1024xf32, #tpu.memory_space<hbm>>
        %dma_start3A_185 = tpu.memref_squeeze %dma_start3A_184 : memref<1x32x1024xf32, #tpu.memory_space<hbm>> -> memref<32x1024xf32, #tpu.memory_space<hbm>>
        %dma_start3A_186 = arith.constant 0 : i32
        %dma_start3A_187 = arith.constant 0 : i32
        %dma_start3A_188 = tpu.memref_slice %arg8[%run_scoped3A_167, %dma_start3A_186, %dma_start3A_187] : memref<2x32x1024xf32, #tpu.memory_space<vmem>> -> memref<1x32x1024xf32, #tpu.memory_space<vmem>>
        %dma_start3A_189 = tpu.memref_squeeze %dma_start3A_188 : memref<1x32x1024xf32, #tpu.memory_space<vmem>> -> memref<32x1024xf32, #tpu.memory_space<vmem>>
        tpu.enqueue_dma source(%dma_start3A_189 : memref<32x1024xf32, #tpu.memory_space<vmem>>) target(%dma_start3A_185 : memref<32x1024xf32, #tpu.memory_space<hbm>>) target_semaphore(%run_scoped3A_175 : memref<!tpu.dma_semaphore, #tpu.memory_space<semaphore_mem>>)
        %dma_wait3A_190 = arith.constant 0 : i32
        %dma_wait3A_191 = arith.constant 0 : i32
        %dma_wait3A_192 = tpu.memref_slice %arg8[%run_scoped3A_167, %dma_wait3A_190, %dma_wait3A_191] : memref<2x32x1024xf32, #tpu.memory_space<vmem>> -> memref<1x32x1024xf32, #tpu.memory_space<vmem>>
        %dma_wait3A_193 = tpu.memref_squeeze %dma_wait3A_192 : memref<1x32x1024xf32, #tpu.memory_space<vmem>> -> memref<32x1024xf32, #tpu.memory_space<vmem>>
        %dma_wait3A_194 = arith.constant 0 : i32
        %dma_wait3A_195 = tpu.memref_slice %arg5[%scan3A_134, %add3A_166, %dma_wait3A_194] : memref<33x2048x1024xf32, #tpu.memory_space<hbm>> -> memref<1x32x1024xf32, #tpu.memory_space<hbm>>
        %dma_wait3A_196 = tpu.memref_squeeze %dma_wait3A_195 : memref<1x32x1024xf32, #tpu.memory_space<hbm>> -> memref<32x1024xf32, #tpu.memory_space<hbm>>
        %dma_wait3A_197 = arith.constant 0 : i32
        %dma_wait3A_198 = tpu.memref_slice %arg5[%scan3A_134, %add3A_166, %dma_wait3A_197] : memref<33x2048x1024xf32, #tpu.memory_space<hbm>> -> memref<1x32x1024xf32, #tpu.memory_space<hbm>>
        %dma_wait3A_199 = tpu.memref_squeeze %dma_wait3A_198 : memref<1x32x1024xf32, #tpu.memory_space<hbm>> -> memref<32x1024xf32, #tpu.memory_space<hbm>>
        %dma_wait3A_200 = arith.constant 0 : i32
        %dma_wait3A_201 = arith.constant 0 : i32
        %dma_wait3A_202 = tpu.memref_slice %arg8[%run_scoped3A_167, %dma_wait3A_200, %dma_wait3A_201] : memref<2x32x1024xf32, #tpu.memory_space<vmem>> -> memref<1x32x1024xf32, #tpu.memory_space<vmem>>
        %dma_wait3A_203 = tpu.memref_squeeze %dma_wait3A_202 : memref<1x32x1024xf32, #tpu.memory_space<vmem>> -> memref<32x1024xf32, #tpu.memory_space<vmem>>
        tpu.wait_dma2 semaphore(%run_scoped3A_175 : memref<!tpu.dma_semaphore, #tpu.memory_space<semaphore_mem>>) src(%dma_wait3A_203 : memref<32x1024xf32, #tpu.memory_space<vmem>>) dst(%dma_wait3A_199 : memref<32x1024xf32, #tpu.memory_space<hbm>>)
        tpu.yield
      }) : () -> ()
      %add3A_168 = arith.constant 1 : i32
      %add3A_169 = arith.addi %scan3A_134, %add3A_168 : i32
      %lt3A_170 = arith.constant 33 : i32
      %lt3A_171 = arith.cmpi slt, %add3A_169, %lt3A_170 : i32
      %convert_element_type3A_172 = arith.extui %lt3A_171 : i1 to i32
      %cond3A_173 = arith.constant 0 : i32
      %cond3A_174 = arith.cmpi ne, %convert_element_type3A_172, %cond3A_173 : i32
      scf.if %cond3A_174 {
        %add3A_175 = arith.constant 1 : i32
        %add3A_176 = arith.addi %scan3A_134, %add3A_175 : i32
        %lt3A_177 = arith.constant 32 : i32
        %lt3A_178 = arith.cmpi slt, %add3A_176, %lt3A_177 : i32
        %mul3A_179 = arith.constant 2051 : i32
        %mul3A_180 = arith.muli %add3A_176, %mul3A_179 : i32
        %jit3A_181 = arith.constant 0 : i32
        %select_n3A_182 = arith.select %lt3A_178, %mul3A_180, %jit3A_181 : i32
        %add3A_183 = arith.constant 32 : i32
        %add3A_184 = arith.addi %mul3A_36, %add3A_183 : i32
        %get3A_185 = arith.index_cast %add3A_176 : i32 to index
        %get3A_186 = arith.index_cast %add3A_184 : i32 to index
        %get3A_187 = tpu.vector_load %arg6[%get3A_185, %get3A_186] {strides = array<i32>} : memref<33x128xi32, #tpu.memory_space<vmem>>, vector<1x16xi32>,
        %get3A_188 = vector.shape_cast %get3A_187 : vector<1x16xi32> to vector<16xi32>
        %add3A_189 = vector.broadcast %select_n3A_182 : i32 to vector<16xi32>
        %add3A_190 = arith.addi %get3A_188, %add3A_189 : vector<16xi32>
        %add3A_191 = arith.constant 32 : i32
        %add3A_192 = arith.addi %mul3A_36, %add3A_191 : i32
        %add3A_193 = arith.constant 16 : i32
        %add3A_194 = arith.addi %add3A_192, %add3A_193 : i32
        %get3A_195 = arith.index_cast %add3A_176 : i32 to index
        %get3A_196 = arith.index_cast %add3A_194 : i32 to index
        %get3A_197 = tpu.vector_load %arg6[%get3A_195, %get3A_196] {strides = array<i32>} : memref<33x128xi32, #tpu.memory_space<vmem>>, vector<1x16xi32>,
        %get3A_198 = vector.shape_cast %get3A_197 : vector<1x16xi32> to vector<16xi32>
        %add3A_199 = vector.broadcast %select_n3A_182 : i32 to vector<16xi32>
        %add3A_200 = arith.addi %get3A_198, %add3A_199 : vector<16xi32>
        %swap3A_201 = arith.constant 1 : i32
        %swap3A_202 = arith.index_cast %swap3A_201 : i32 to index
        %swap3A_203 = arith.constant 0 : index
        %swap3A_204 = tpu.vector_load %arg7[%swap3A_202, %swap3A_203] {strides = array<i32>} : memref<2x32xi32, #tpu.memory_space<vmem>>, vector<1x16xi32>,
        %swap3A_205 = vector.shape_cast %swap3A_204 : vector<1x16xi32> to vector<16xi32>
        %swap3A_206 = vector.shape_cast %add3A_190 : vector<16xi32> to vector<1x16xi32>
        tpu.vector_store %arg7[%swap3A_202, %swap3A_203], %swap3A_206 {strides = array<i32>} : memref<2x32xi32, #tpu.memory_space<vmem>>, vector<1x16xi32>,
        %swap3A_207 = arith.constant 1 : i32
        %swap3A_208 = arith.index_cast %swap3A_207 : i32 to index
        %swap3A_209 = arith.constant 16 : index
        %swap3A_210 = tpu.vector_load %arg7[%swap3A_208, %swap3A_209] {strides = array<i32>} : memref<2x32xi32, #tpu.memory_space<vmem>>, vector<1x16xi32>,
        %swap3A_211 = vector.shape_cast %swap3A_210 : vector<1x16xi32> to vector<16xi32>
        %swap3A_212 = vector.shape_cast %add3A_200 : vector<16xi32> to vector<1x16xi32>
        tpu.vector_store %arg7[%swap3A_208, %swap3A_209], %swap3A_212 {strides = array<i32>} : memref<2x32xi32, #tpu.memory_space<vmem>>, vector<1x16xi32>,
        %lt3A_213 = arith.constant 32 : i32
        %lt3A_214 = arith.cmpi slt, %add3A_176, %lt3A_213 : i32
        %convert_element_type3A_215 = arith.extui %lt3A_214 : i1 to i32
        %cond3A_216 = arith.constant 0 : i32
        %cond3A_217 = arith.cmpi ne, %convert_element_type3A_215, %cond3A_216 : i32
        scf.if %cond3A_217 {
          %dma_start3A_222 = arith.constant 1 : i32
          %dma_start3A_223 = arith.constant 1 : i32
          %dma_start3A_224 = arith.constant 0 : i32
          %dma_start3A_225 = arith.constant 0 : i32
          %dma_start3A_226 = tpu.memref_slice %arg8[%dma_start3A_223, %dma_start3A_224, %dma_start3A_225] : memref<2x32x1024xf32, #tpu.memory_space<vmem>> -> memref<1x32x1024xf32, #tpu.memory_space<vmem>>
          %dma_start3A_227 = tpu.memref_squeeze %dma_start3A_226 : memref<1x32x1024xf32, #tpu.memory_space<vmem>> -> memref<32x1024xf32, #tpu.memory_space<vmem>>
          %dma_start3A_228 = arith.constant 0 : i32
          %dma_start3A_229 = tpu.memref_slice %arg7[%dma_start3A_222, %dma_start3A_228] : memref<2x32xi32, #tpu.memory_space<vmem>> -> memref<1x32xi32, #tpu.memory_space<vmem>>
          %dma_start3A_230 = tpu.memref_squeeze %dma_start3A_229 : memref<1x32xi32, #tpu.memory_space<vmem>> -> memref<32xi32, #tpu.memory_space<vmem>>
          %dma_start3A_231 = arith.constant 0 : i32
          %dma_start3A_232 = arith.constant 0 : i32
          %dma_start3A_233 = tpu.memref_slice %arg4[%dma_start3A_231, %dma_start3A_232] : memref<65632x1024xf32, #tpu.memory_space<hbm>> -> memref<65632x1024xf32, #tpu.memory_space<hbm>>
          tpu.enqueue_indirect_dma source(%dma_start3A_233 : memref<65632x1024xf32, #tpu.memory_space<hbm>>) target(%dma_start3A_227 : memref<32x1024xf32, #tpu.memory_space<vmem>>) offsets(%dma_start3A_230 : memref<32xi32, #tpu.memory_space<vmem>>) semaphore(%arg10 : memref<!tpu.dma_semaphore, #tpu.memory_space<semaphore_mem>>)
        } else {
        }
        %ge3A = arith.constant 32 : i32
        %ge3A_218 = arith.cmpi sge, %add3A_176, %ge3A : i32
        %convert_element_type3A_219 = arith.extui %ge3A_218 : i1 to i32
        %cond3A_220 = arith.constant 0 : i32
        %cond3A_221 = arith.cmpi ne, %convert_element_type3A_219, %cond3A_220 : i32
        scf.if %cond3A_221 {
          %dma_start3A_222 = arith.constant 1 : i32
          %dma_start3A_223 = arith.constant 1 : i32
          %dma_start3A_224 = arith.constant 0 : i32
          %dma_start3A_225 = arith.constant 0 : i32
          %dma_start3A_226 = tpu.memref_slice %arg8[%dma_start3A_223, %dma_start3A_224, %dma_start3A_225] : memref<2x32x1024xf32, #tpu.memory_space<vmem>> -> memref<1x32x1024xf32, #tpu.memory_space<vmem>>
          %dma_start3A_227 = tpu.memref_squeeze %dma_start3A_226 : memref<1x32x1024xf32, #tpu.memory_space<vmem>> -> memref<32x1024xf32, #tpu.memory_space<vmem>>
          %dma_start3A_228 = arith.constant 0 : i32
          %dma_start3A_229 = tpu.memref_slice %arg7[%dma_start3A_222, %dma_start3A_228] : memref<2x32xi32, #tpu.memory_space<vmem>> -> memref<1x32xi32, #tpu.memory_space<vmem>>
          %dma_start3A_230 = tpu.memref_squeeze %dma_start3A_229 : memref<1x32xi32, #tpu.memory_space<vmem>> -> memref<32xi32, #tpu.memory_space<vmem>>
          %dma_start3A_231 = arith.constant 0 : i32
          %dma_start3A_232 = arith.constant 0 : i32
          %dma_start3A_233 = tpu.memref_slice %arg3[%dma_start3A_231, %dma_start3A_232] : memref<128256x1024xf32, #tpu.memory_space<hbm>> -> memref<128256x1024xf32, #tpu.memory_space<hbm>>
          tpu.enqueue_indirect_dma source(%dma_start3A_233 : memref<128256x1024xf32, #tpu.memory_space<hbm>>) target(%dma_start3A_227 : memref<32x1024xf32, #tpu.memory_space<vmem>>) offsets(%dma_start3A_230 : memref<32xi32, #tpu.memory_space<vmem>>) semaphore(%arg10 : memref<!tpu.dma_semaphore, #tpu.memory_space<semaphore_mem>>)
        } else {
        }
      } else {
      }
    }
    %scan3A_133 = arith.constant 33 : i32
    return
  }
}

</mosaic_0001>

<sc_bundles>
// kernel: kernel.3.cloned.1.call-start
scs
__scs_entry_jumppad:
0x0: {  	(pc) =	sbr.rel $0x88, $3  }
0x1: {  	(tag) =	ssettag $0x0;
	lr =	simm.s32 $0x1  }
0x2: {  	[smem:$0x3F9E] =	sst lr;
	_ =	strace $0xD0000000  }
0x3: {  	_ = 	snop  }
0x4: {  	_ = 	snop  }
0x5: {  	_ = 	snop  }
0x6: {  	_ = 	snop  }
0x7: {  	_ = 	snop  }
__scs_overlays_trampoline_lowered:
0x8: {  	[smem:$0x3FAD] =	sst s0  }
0x9: {  	[smem:$0x3FAE] =	sst s1  }
0xa: {  	[smem:$0x3FAF] =	sst s2  }
0xb: {  	[smem:$0x3FB0] =	sst s3  }
0xc: {  	[smem:$0x3FB1] =	sst s4  }
0xd: {  	[smem:$0x3FB2] =	sst s5  }
0xe: {  	[smem:$0x3FB3] =	sst s6  }
0xf: {  	[smem:$0x3FB4] =	sst s7  }
0x10: {  	[smem:$0x3FB5] =	sst s8  }
0x11: {  	[smem:$0x3FB6] =	sst s9;
	s0 =	simm.s32 @!p0 $0x0  }
0x12: {  	s1 =	sld [smem:$0x3F9C];
	s0 =	simm.s32 @p0 $0x1  }
0x13: {  	[smem:$0x3FB7] =	sst s0;
	s0 =	simm.s32 @!p1 $0x0  }
0x14: {  	s2 =	sld [smem:$0x3F9B];
	s0 =	simm.s32 @p1 $0x1  }
0x15: {  	[smem:$0x3FB8] =	sst s0;
	s0 =	simm.s32 @!p2 $0x0  }
0x16: {  	s3 =	sld [smem:$0x3FDB];
	s0 =	simm.s32 @p2 $0x1  }
0x17: {  	s4 =	simm.s32 $0x1BF5;
	[smem:$0x3FBA] =	sst s0  }
0x18: {  	s0 =	sld [smem:$0x3F9D];
	_ =	swait.ge [sflag:s4], $0x0  }
0x19: {  	s7 =	sld [smem:$0x3F9E]  }
0x1a: {  	s8 =	sadd.s32 $0xFFFFE003, lr  }
0x1b: {  	s9 =	sadd.s32 $0xFFFFFEF7, lr;
	s5 =	simm.s32 $0xFFFFFFFF;
	p2 =	slt.u32 s8, $0xFFFFF086  }
0x1c: {  	p1 =	slt.u32 s9, $0xF7A;
	s5 =	simm.s32 @!p2 $0x0  }
0x1d: {  	s5 =	simm.s32 @p1 $0x1;
	p0 =	seq.s32 s7, s2  }
0x1e: {  	s7 =	smul.u32 @!p0 $0xF7A, s2;
	p2 =	seq.s32 @!p0 s5, $0x0  }
0x1f: {  	s9 =	smul.u32 $0xF7A, s1;
	s8 =	simm.s32 @!p0 $0x1BF5;
	p2 =	por !p2, p0  }
0x20: {  	[sflag:s8] =	ssyncset.s32 @!p0 $0xFFFFF086;
	s6 =	sadd.s32 @!p0 s3, s7;
	s7 =	simm.s32 @!p0 $0x108  }
0x21: {  	s3 =	sadd.s32 s3, s9;
	s6 =	sadd.s32 @!p0 $0x88, s6;
	s7 =	simm.s32 @p2 $0x1082  }
0x22: {  	[simem:s7], [sflag:s8] =	dma.local @!p0 [hbm:s6], $0xF7A  }
0x23: {  	s9 =	sor.u32 $0xD0000000, s2;
	s6 =	simm.s32 $0x108;
	_ =	swait.ge @!p0 [sflag:s8], $0x0  }
0x24: {  	s3 =	sadd.s32 $0x88, s3;
	s6 =	simm.s32 @!p1 $0x1082;
	[sflag:s4] =	ssyncset.s32 $0xFFFFF086  }
0x25: {  	[simem:s6], [sflag:s4] =	dma.local [hbm:s3], $0xF7A  }
0x26: {  	[smem:$0x3F9E] =	sst s1;
	(tag) =	ssettag s2;
	_ =	strace s9  }
0x27: {  	s1 =	sld [smem:$0x3FAE]  }
0x28: {  	s2 =	sld [smem:$0x3FAF]  }
0x29: {  	s4 =	sld [smem:$0x3FB1]  }
0x2a: {  	p0 =	seq.s32 s5, $0x0;
	s5 =	sld [smem:$0x3FB2]  }
0x2b: {  	s6 =	sld [smem:$0x3FB3]  }
0x2c: {  	s7 =	sld [smem:$0x3FB4]  }
0x2d: {  	s3 =	simm.s32 $0x108;
	s8 =	sld [smem:$0x3FB5]  }
0x2e: {  	s3 =	simm.s32 @!p0 $0x1082;
	s9 =	sld [smem:$0x3FB6]  }
0x2f: {  	lr =	sadd.s32 s0, s3;
	s0 =	sld [smem:$0x3FAD]  }
0x30: {  	s3 =	sld [smem:$0x3FB0]  }
0x31: {  	[smem:$0x3FB9] =	sst s10  }
0x32: {  	s10 =	sld [smem:$0x3FB7];
	_ =	sdelay $0x3  }
0x33: {  	p0 =	seq.s32 s10, $0x1;
	s10 =	sld [smem:$0x3FB9];
	_ =	sdelay $0x3  }
0x34: {  	[smem:$0x3FB9] =	sst s10  }
0x35: {  	s10 =	sld [smem:$0x3FB8];
	_ =	sdelay $0x3  }
0x36: {  	p1 =	seq.s32 s10, $0x1;
	s10 =	sld [smem:$0x3FB9];
	_ =	sdelay $0x3  }
0x37: {  	[smem:$0x3FB9] =	sst s10  }
0x38: {  	s10 =	sld [smem:$0x3FBA]  }
0x39: {  	_ = 	snop;
	(pc) =	sbr.ind lr, $3  }
0x3a: {  	_ = 	snop  }
0x3b: {  	_ = 	snop  }
0x3c: {  	p2 =	seq.s32 s10, $0x1;
	s10 =	sld [smem:$0x3FB9]  }
0x3d: {  	_ =	shalt  }
0x3e: {  	_ =	shalt  }
0x3f: {  	_ =	shalt  }
0x40: {  	_ =	shalt  }
0x41: {  	_ =	shalt  }
0x42: {  	_ =	shalt  }
0x43: {  	_ =	shalt  }
0x44: {  	_ =	shalt  }
0x45: {  	_ =	shalt  }
0x46: {  	_ =	shalt  }
0x47: {  	_ =	shalt  }
0x48: {  	_ =	shalt  }
0x49: {  	_ =	shalt  }
0x4a: {  	_ =	shalt  }
0x4b: {  	_ =	shalt  }
0x4c: {  	_ =	shalt  }
0x4d: {  	_ =	shalt  }
0x4e: {  	_ =	shalt  }
0x4f: {  	_ =	shalt  }
0x50: {  	_ =	shalt  }
0x51: {  	_ =	shalt  }
0x52: {  	_ =	shalt  }
0x53: {  	_ =	shalt  }
0x54: {  	_ =	shalt  }
0x55: {  	_ =	shalt  }
0x56: {  	_ =	shalt  }
0x57: {  	_ =	shalt  }
0x58: {  	_ =	shalt  }
0x59: {  	_ =	shalt  }
0x5a: {  	_ =	shalt  }
0x5b: {  	_ =	shalt  }
0x5c: {  	_ =	shalt  }
0x5d: {  	_ =	shalt  }
0x5e: {  	_ =	shalt  }
0x5f: {  	_ =	shalt  }
0x60: {  	_ =	shalt  }
0x61: {  	_ =	shalt  }
0x62: {  	_ =	shalt  }
0x63: {  	_ =	shalt  }
0x64: {  	_ =	shalt  }
0x65: {  	_ =	shalt  }
0x66: {  	_ =	shalt  }
0x67: {  	_ =	shalt  }
0x68: {  	_ =	shalt  }
0x69: {  	_ =	shalt  }
0x6a: {  	_ =	shalt  }
0x6b: {  	_ =	shalt  }
0x6c: {  	_ =	shalt  }
0x6d: {  	_ =	shalt  }
0x6e: {  	_ =	shalt  }
0x6f: {  	_ =	shalt  }
0x70: {  	_ =	shalt  }
0x71: {  	_ =	shalt  }
0x72: {  	_ =	shalt  }
0x73: {  	_ =	shalt  }
0x74: {  	_ =	shalt  }
0x75: {  	_ =	shalt  }
0x76: {  	_ =	shalt  }
0x77: {  	_ =	shalt  }
0x78: {  	_ =	shalt  }
0x79: {  	_ =	shalt  }
0x7a: {  	_ =	shalt  }
0x7b: {  	_ =	shalt  }
0x7c: {  	_ =	shalt  }
0x7d: {  	_ =	shalt  }
0x7e: {  	_ =	shalt  }
0x7f: {  	_ =	shalt  }
0x80: {  	_ =	shalt  }
0x81: {  	_ =	shalt  }
0x82: {  	_ =	shalt  }
0x83: {  	_ =	shalt  }
0x84: {  	_ =	shalt  }
0x85: {  	_ =	shalt  }
0x86: {  	_ =	shalt  }
0x87: {  	_ =	shalt  }
.Lfunc_end0:
.L_simem_size_0:
called_computation_lowered:
.L_overlay_start_0:
0x88: {  	s2 =	sld [smem:$0x3FD9]  }
0x89: {  	s3 =	sld [smem:$0x3FFE];
	_ =	sdelay $0x1  }
0x8a: {  	s1 =	srdreg.scid  }
0x8b: {  	s0 =	sand.u32 $0x1, s1  }
0x8c: {  	s17 =	sshll.u32 s0, $0xA;
	s2 =	sadd.s32 s3, s2  }
0x8d: {  	s2 =	sadd.s32 s2, s17  }
0x8e: {  	[smem:$0x3FC5] =	sst s2  }
0x8f: {  	_ = 	snop  }
0x90: {  	s2 =	sld [smem:$0x3FC8]  }
0x91: {  	s18 =	sld [smem:$0x3FC7]  }
0x92: {  	s4 =	sld [smem:$0x3FD0];
	(tm) =	ssettm $0x1  }
0x93: {  	s5 =	sld [smem:$0x3FFB];
	_ =	sdelay $0x3  }
0x94: {  	_ =	strace s5  }
0x95: {  	s5 =	sld [smem:$0x3FFC];
	_ =	sdelay $0x3  }
0x96: {  	_ =	strace s5  }
0x97: {  	s5 =	sld [smem:$0x3FFD];
	_ =	sdelay $0x3  }
0x98: {  	_ =	strace s5  }
0x99: {  	_ =	strace $0x8FFFFFFF  }
0x9a: {  	s19 =	sld [smem:$0x3FDB];
	_ =	sdelay $0x1  }
0x9b: {  	s6 =	simm.s32 $_scs_section_size  }
0x9c: {  	s7 =	simm.s32 $_size__tile_overlayer_lowered;
	s8 =	simm.s32 $_tile_overlayer_lowered  }
0x9d: {  	s22 =	simm.s32 $0x1BFF;
	s21 =	sshll.u32 s8, $0x1;
	s5 =	sadd.s32 s6, s19  }
0x9e: {  	s9 =	simm.s32 $0x0;
	s20 =	sshll.u32 s7, $0x1;
	s7 =	sadd.s32 s21, s5  }
0x9f: {  	[timem:s9], [sflag:s22] =	dma.local [hbm:s7], s20  }
0xa0: {  	_ =	swait.ge [sflag:s22], s20  }
0xa1: {  	s6 =	ssub.s32 $0x0, s20;
	[sflag:s22] =	ssyncset.done $0x0  }
0xa2: {  	[sflag:s22] =	ssyncadd.s32 s6;
	_ =	sdelay $0x1  }
0xa3: {  	s23 =	simm.s32 $0x1B8B  }
0xa4: {  	_ =	swait.ge [sflag:s23], $0x1  }
0xa5: {  	[sflag:s23] =	ssyncset.done $0x0  }
0xa6: {  	s25 =	simm.s32 $0x1B8E;
	s24 =	sld [smem:$0x3FFE];
	[sflag:s23] =	ssyncadd.s32 $0xFFFFFFFF  }
0xa7: {  	s26 =	simm.s32 $execute0_lowered;
	[smem:$0x3FD2] =	sst s25  }
0xa8: {  	s7 =	sshll.u32 s26, $0x1;
	_ =	strace $0x80000046;
	[dreg:$0x1] =	wrdreg $0xFFFFFFFF  }
0xa9: {  	s28 =	simm.s32 $_size_execute0_lowered;
	s5 =	sadd.s32 s5, s7;
	[dreg:$0x0] =	wrdreg $0x0  }
0xaa: {  	s7 =	sshll.u32 s28, $0x1;
	[dreg:$0x2] =	wrdreg s5  }
0xab: {  	[dreg:$0x3] =	wrdreg s7  }
0xac: {  	[dreg:$0x4] =	wrdreg $0xC0  }
0xad: {  	_ =	task [dreg:s9], $0x5FFFF  }
0xae: {  	[dreg:$0x1] =	wrdreg $0xFFFFFFFF  }
0xaf: {  	[dreg:$0x0] =	wrdreg $0x60  }
0xb0: {  	[dreg:$0x2] =	wrdreg s24  }
0xb1: {  	[dreg:$0x3] =	wrdreg s2  }
0xb2: {  	[dreg:$0x4] =	wrdreg s18  }
0xb3: {  	[dreg:$0x5] =	wrdreg s4  }
0xb4: {  	[dreg:$0x6] =	wrdreg $0x9  }
0xb5: {  	_ =	task.clear_ibuf [dreg:s9], $0x7FFFF;
	_ =	strace $0x90000046  }
0xb6: {  	s29 =	simm.s32 $0x9;
	_ =	strace $0x80000048  }
0xb7: {  	_ =	swait.ge [sflag:s29], $0x1  }
0xb8: {  	[sflag:s29] =	ssyncadd.s32 $0xFFFFFFFF  }
0xb9: {  	_ =	strace $0x90000048  }
0xba: {  	_ =	sfence  }
0xbb: {  	s30 =	sld [smem:$0x0];
	_ =	sdelay $0x2  }
0xbc: {  	s31 =	sshll.u32 s1, $0xD;
	s1 =	sshrl.u32 s1, $0x2  }
0xbd: {  	s3 =	sand.u32 $0x4000, s31;
	s1 =	sadd.s32 s1, s30  }
0xbe: {  	s0 =	sor.u32 s3, s0;
	s1 =	sshll.u32 s1, $0x11  }
0xbf: {  	s0 =	sor.u32 s1, s0  }
0xc0: {  	s0 =	sadd.s32 $0x8F2B, s0  }
0xc1: {  	[sflag:s0] =	ssyncadd.remote.s32 $0x1  }
0xc2: {  	_ =	sfence.sel $0xFFFF  }
0xc3: {  	[dreg:$0x0] =	wrdreg $0xFFFFFFFF;
	(pc) =	sbr.abs _section_cstart, $3  }
0xc4: {  	[dreg:$0x1] =	wrdreg $0xFFFFFFFF  }
0xc5: {  	_ =	task.clear_ibuf [dreg:s9], $0x2FFFF;
	_ =	strace $0x9FFFFFFF  }
0xc6: {  	(tm) =	ssettm $0x7FFFFFFF  }
0xc7: {  	_ =	shalt  }
tec
execute0_lowered:
.L_overlay_start_1:
0x0: {  	(tag) =	ssettag $0x1  }
0x1: {  	s0 =	srdreg.scid;
	s2 =	rddreg [dreg:$0x0]  }
0x2: {  	s11 =	stileid.u32;
	s3 =	rddreg [dreg:$0x2];
	s5 =	simm.s32 $0x1  }
0x3: {  	s6 =	rddreg [dreg:$0x3];
	s4 =	simm.s32 $0x0;
	s29 =	simm.s32 $0x6D00  }
0x4: {  	s30 =	simm.s32 $0x7500;
	s13 =	simm.s32 $0x9500;
	s14 =	simm.s32 $0x2  }
0x5: {  	s0 =	sand.u32 $0x1, s0;
	s1 =	sshll.u32 s11, $0x1;
	[smem:$0x7FF] =	sst s4  }
0x6: {  	s10 =	sadd.s32 $0x100, s3;
	s22 =	sadd.s32 $0x200, s3;
	s23 =	sadd.s32 $0x300, s3  }
0x7: {  	s21 =	sshll.u32 s11, $0x11;
	s1 =	sor.u32 s0, s1;
	p1 =	seq.s32 s0, $0x1  }
0x8: {  	s7 =	ssub.s32 $0x2, s0;
	s16 =	sshll.u32 s0, $0x6;
	s0 =	sshll.u32 s0, $0x10  }
0x9: {  	p0 =	seq.s32 s1, $0x0;
	s1 =	rddreg [dreg:$0x1];
	_ =	strace $0x80000047  }
0xa: {  	s9 =	sshrl.u32 s7, $0x1;
	s18 =	sor.u32 $0x10, s16;
	[dreg:$0x5] =	wrdreg s16  }
0xb: {  	s19 =	sor.u32 $0x20, s16;
	s20 =	sor.u32 $0x30, s16;
	[dreg:$0x8] =	wrdreg s18  }
0xc: {  	s0 =	sor.u32 s0, s21;
	s31 =	sor.u32 $0xB0, s16;
	[dreg:$0x9] =	wrdreg s19  }
0xd: {  	p0 =	por !p0, !p1;
	s7 =	ssub.s32 s7, s9;
	[dreg:$0xa] =	wrdreg s20  }
0xe: {  	s15 =	sadd.s32 $0x100, s1;
	s24 =	sadd.s32 $0x200, s1;
	s28 =	sadd.s32 $0x300, s1  }
0xf: {  	s26 =	sshrl.u32 s0, $0x3;
	s0 =	sor.u32 $0x8000, s0;
	p0 =	por !p0, !p0  }
0x10: {  	[dreg:$0xc] =	wrdreg s31;
	s9 =	simm.s32 $0x8D00;
	s5 =	simm.s32 @!p0 $0x0  }
0x11: {  	s25 =	smax.u32 s7, $0x1;
	s19 =	sadd.s32 s26, s6;
	s5 =	ssub.s32 s11, s5  }
0x12: {  	s0 =	sshrl.u32 s0, $0x3;
	s26 =	simm.s32 $0x1500;
	s5 =	sshll.u32 s5, $0x7  }
.Ltmp0:
0x13: {  	s7 =	simm.s32 $0x7D00;
	s8 =	sand.u32 $0x1FFFFF80, s5;
	(pc) =	sbr.rel .LBB2_1-.Ltmp0, $4  }
0x14: {  	[dreg:$0xb] =	wrdreg s25;
	s21 =	sadd.s32 s0, s6;
	s2 =	sadd.s32 s8, s2  }
0x15: {  	v2 =	vlaneseq.u32;
	s25 =	simm.s32 $0x3;
	s0 =	simm.s32 $0x6500;
	s17 =	sadd.s32 $0x400, s2  }
0x16: {  	vm0 =	vmmov $0xffff;
	v1 =	vshrl.u32 v2, $0x3;
	v0 =	vand.u32 $0x7, v2;
	s6 =	simm.s32 $0x0;
	s2 =	sadd.s32 $0x2400, s2;
	[dreg:$0x6] =	wrdreg s17  }
0x17: {  	v2 =	vor.u32 $0x8, v2;
	v1 =	vmul.u32 $0x8, v1;
	v3 =	vor.u32 $0x8, v0;
	s5 =	simm.s32 $0x1;
	s8 =	simm.s32 $0x8500;
	[dreg:$0x7] =	wrdreg s2  }
.LBB2_5:
0x18: {  	s6 =	rddreg [dreg:$0xd]  }
0x19: {  	s2 =	rddreg [dreg:$0xb];
	s6 =	sadd.s32 $0x1, s6  }
0x1a: {  	p0 =	sne.s32 s6, s2  }
.Ltmp1:
0x1b: {  	_ = 	snop;
	(pc) =	sbr.rel @!p0 .LBB2_6-.Ltmp1, $1  }
0x1c: {  	_ =	sdelay $0x3  }
.LBB2_1:
0x1d: {  	[dreg:$0xd] =	wrdreg s6  }
0x1e: {  	s2 =	rddreg [dreg:$0x6];
	s31 =	simm.s32 $0x400;
	s11 =	simm.s32 $0x4000  }
0x1f: {  	[tilespmem:s4], [sflag:$0x3] =	stream.strided.gather [hbm4b:s2+s31], $0x1000, s11, s31, $0x38;
	[tilespmem:$0x11500] =	vst v63  }
0x20: {  	s12 =	rddreg [dreg:$0x7];
	s16 =	simm.s32 $0x1000  }
0x21: {  	[tilespmem:s16], [sflag:$0x3] =	stream.linear.gather [hbm4b:s12+s4], $0x80, $0x38;
	[tilespmem:$0x11500] =	vst v63  }
0x22: {  	_ =	swait.ge [sflag:s25], $0x1080  }
0x23: {  	[sflag:s25] =	ssyncset.done $0x0  }
0x24: {  	s17 =	rddreg [dreg:$0x5];
	[sflag:s25] =	ssyncadd.s32 $0xFFFFEF80  }
0x25: {  	v4 =	vld [tilespmem:s17+$0x0];
	_ =	sdelay $0x4  }
0x26: {  	v5 =	vshll.u32 v4, $0x3  }
0x27: {  	v6 =	vand.u32 $0x7, v4;
	v5 =	vand.u32 $0xFFFFFFC0, v5  }
0x28: {  	v5 =	vor.u32 v6, v5  }
0x29: {  	s18 =	rddreg [dreg:$0x8];
	v6 =	vperm.xlane v5, v0  }
0x2a: {  	v7 =	vld [tilespmem:s18+$0x0]  }
0x2b: {  	v6 =	vadd.s32 v1, v6;
	_ =	sdelay $0x2  }
0x2c: {  	[tilespmem:$0x1400] =	vst v4  }
0x2d: {  	[tilespmem:$0x1410] =	vst v7  }
0x2e: {  	[tilespmem:s26], [sflag:$0x1] =	stream.indirect_vreg.gather [hbm4b:s3+s4], $0x80, v6, vm0, $0xb8;
	[tilespmem:$0x11500] =	vst v63  }
0x2f: {  	s20 =	simm.s32 $0x1D00;
	v4 =	vperm.xlane v5, v2  }
0x30: {  	[tilespmem:s20], [sflag:$0x1] =	stream.indirect_vreg.gather [hbm4b:s10+s4], $0x80, v6, vm0, $0xb8;
	[tilespmem:$0x11500] =	vst v63  }
0x31: {  	s31 =	simm.s32 $0x2500;
	v4 =	vadd.s32 v1, v4  }
0x32: {  	[tilespmem:s31], [sflag:$0x1] =	stream.indirect_vreg.gather [hbm4b:s22+s4], $0x80, v6, vm0, $0xb8;
	[tilespmem:$0x11500] =	vst v63  }
0x33: {  	s6 =	simm.s32 $0x2D00  }
0x34: {  	[tilespmem:s6], [sflag:$0x1] =	stream.indirect_vreg.gather [hbm4b:s23+s4], $0x80, v6, vm0, $0xb8;
	[tilespmem:$0x11500] =	vst v63  }
0x35: {  	s11 =	simm.s32 $0x3500  }
0x36: {  	[tilespmem:s11], [sflag:$0x1] =	stream.indirect_vreg.gather [hbm4b:s3+s4], $0x80, v4, vm0, $0xb8;
	[tilespmem:$0x11500] =	vst v63  }
0x37: {  	s12 =	simm.s32 $0x3D00  }
0x38: {  	[tilespmem:s12], [sflag:$0x1] =	stream.indirect_vreg.gather [hbm4b:s10+s4], $0x80, v4, vm0, $0xb8;
	[tilespmem:$0x11500] =	vst v63  }
0x39: {  	s16 =	simm.s32 $0x4500  }
0x3a: {  	[tilespmem:s16], [sflag:$0x1] =	stream.indirect_vreg.gather [hbm4b:s22+s4], $0x80, v4, vm0, $0xb8;
	[tilespmem:$0x11500] =	vst v63  }
0x3b: {  	s17 =	simm.s32 $0x4D00  }
0x3c: {  	[tilespmem:s17], [sflag:$0x1] =	stream.indirect_vreg.gather [hbm4b:s23+s4], $0x80, v4, vm0, $0xb8;
	[tilespmem:$0x11500] =	vst v63  }
0x3d: {  	v4 =	vld [tilespmem:$0x1410];
	_ =	sdelay $0x4  }
0x3e: {  	v5 =	vshll.u32 v4, $0x3  }
0x3f: {  	v4 =	vand.u32 $0x7, v4;
	v5 =	vand.u32 $0xFFFFFFC0, v5  }
0x40: {  	v4 =	vor.u32 v4, v5  }
0x41: {  	v5 =	vperm.xlane v4, v0;
	_ =	sdelay $0x1  }
0x42: {  	v5 =	vadd.s32 v1, v5;
	_ =	sdelay $0x3  }
0x43: {  	s18 =	simm.s32 $0x5500  }
0x44: {  	[tilespmem:s18], [sflag:$0x1] =	stream.indirect_vreg.gather [hbm4b:s3+s4], $0x80, v5, vm0, $0xb8;
	[tilespmem:$0x11500] =	vst v63  }
0x45: {  	s20 =	simm.s32 $0x5D00;
	v4 =	vperm.xlane v4, v2  }
0x46: {  	[tilespmem:s20], [sflag:$0x1] =	stream.indirect_vreg.gather [hbm4b:s10+s4], $0x80, v5, vm0, $0xb8;
	[tilespmem:$0x11500] =	vst v63  }
0x47: {  	v4 =	vadd.s32 v1, v4  }
0x48: {  	[tilespmem:s0], [sflag:$0x1] =	stream.indirect_vreg.gather [hbm4b:s22+s4], $0x80, v5, vm0, $0xb8;
	[tilespmem:$0x11500] =	vst v63  }
0x49: {  	_ = 	snop  }
0x4a: {  	[tilespmem:s29], [sflag:$0x1] =	stream.indirect_vreg.gather [hbm4b:s23+s4], $0x80, v5, vm0, $0xb8;
	[tilespmem:$0x11500] =	vst v63  }
0x4b: {  	_ = 	snop  }
0x4c: {  	[tilespmem:s30], [sflag:$0x1] =	stream.indirect_vreg.gather [hbm4b:s3+s4], $0x80, v4, vm0, $0xb8;
	[tilespmem:$0x11500] =	vst v63  }
0x4d: {  	_ = 	snop  }
0x4e: {  	[tilespmem:s7], [sflag:$0x1] =	stream.indirect_vreg.gather [hbm4b:s10+s4], $0x80, v4, vm0, $0xb8;
	[tilespmem:$0x11500] =	vst v63  }
0x4f: {  	_ = 	snop  }
0x50: {  	[tilespmem:s8], [sflag:$0x1] =	stream.indirect_vreg.gather [hbm4b:s22+s4], $0x80, v4, vm0, $0xb8;
	[tilespmem:$0x11500] =	vst v63  }
0x51: {  	s31 =	rddreg [dreg:$0x9]  }
0x52: {  	[tilespmem:s9], [sflag:$0x1] =	stream.indirect_vreg.gather [hbm4b:s23+s4], $0x80, v4, vm0, $0xb8;
	[tilespmem:$0x11500] =	vst v63  }
0x53: {  	v4 =	vld [tilespmem:s31+$0x0];
	_ =	sdelay $0x4  }
0x54: {  	v5 =	vshll.u32 v4, $0x3  }
0x55: {  	v63 =	vand.u32 $0x7, v4;
	v5 =	vand.u32 $0xFFFFFFC0, v5  }
0x56: {  	v5 =	vor.u32 v63, v5  }
0x57: {  	s6 =	rddreg [dreg:$0xa];
	v6 =	vperm.xlane v5, v0  }
0x58: {  	v7 =	vld [tilespmem:s6+$0x0]  }
0x59: {  	v6 =	vadd.s32 v1, v6;
	_ =	sdelay $0x2  }
0x5a: {  	[tilespmem:$0x1480] =	vst v4  }
0x5b: {  	[tilespmem:$0x1490] =	vst v7  }
0x5c: {  	[tilespmem:s13], [sflag:$0x2] =	stream.indirect_vreg.gather [hbm4b:s3+s4], $0x80, v6, vm0, $0xb8;
	[tilespmem:$0x11500] =	vst v63  }
0x5d: {  	s11 =	simm.s32 $0x9D00;
	v4 =	vperm.xlane v5, v2  }
0x5e: {  	[tilespmem:s11], [sflag:$0x2] =	stream.indirect_vreg.gather [hbm4b:s10+s4], $0x80, v6, vm0, $0xb8;
	[tilespmem:$0x11500] =	vst v63  }
0x5f: {  	s12 =	simm.s32 $0xA500;
	v4 =	vadd.s32 v1, v4  }
0x60: {  	[tilespmem:s12], [sflag:$0x2] =	stream.indirect_vreg.gather [hbm4b:s22+s4], $0x80, v6, vm0, $0xb8;
	[tilespmem:$0x11500] =	vst v63  }
0x61: {  	s16 =	simm.s32 $0xAD00  }
0x62: {  	[tilespmem:s16], [sflag:$0x2] =	stream.indirect_vreg.gather [hbm4b:s23+s4], $0x80, v6, vm0, $0xb8;
	[tilespmem:$0x11500] =	vst v63  }
0x63: {  	s17 =	simm.s32 $0xB500  }
0x64: {  	[tilespmem:s17], [sflag:$0x2] =	stream.indirect_vreg.gather [hbm4b:s3+s4], $0x80, v4, vm0, $0xb8;
	[tilespmem:$0x11500] =	vst v63  }
0x65: {  	s18 =	simm.s32 $0xBD00  }
0x66: {  	[tilespmem:s18], [sflag:$0x2] =	stream.indirect_vreg.gather [hbm4b:s10+s4], $0x80, v4, vm0, $0xb8;
	[tilespmem:$0x11500] =	vst v63  }
0x67: {  	s20 =	simm.s32 $0xC500  }
0x68: {  	[tilespmem:s20], [sflag:$0x2] =	stream.indirect_vreg.gather [hbm4b:s22+s4], $0x80, v4, vm0, $0xb8;
	[tilespmem:$0x11500] =	vst v63  }
0x69: {  	s31 =	simm.s32 $0xCD00  }
0x6a: {  	[tilespmem:s31], [sflag:$0x2] =	stream.indirect_vreg.gather [hbm4b:s23+s4], $0x80, v4, vm0, $0xb8;
	[tilespmem:$0x11500] =	vst v63  }
0x6b: {  	v4 =	vld [tilespmem:$0x1490];
	_ =	sdelay $0x4  }
0x6c: {  	v5 =	vshll.u32 v4, $0x3  }
0x6d: {  	v4 =	vand.u32 $0x7, v4;
	v5 =	vand.u32 $0xFFFFFFC0, v5  }
0x6e: {  	v4 =	vor.u32 v4, v5  }
0x6f: {  	v5 =	vperm.xlane v4, v0;
	_ =	sdelay $0x1  }
0x70: {  	v5 =	vadd.s32 v1, v5;
	_ =	sdelay $0x3  }
0x71: {  	s6 =	simm.s32 $0xD500  }
0x72: {  	[tilespmem:s6], [sflag:$0x2] =	stream.indirect_vreg.gather [hbm4b:s3+s4], $0x80, v5, vm0, $0xb8;
	[tilespmem:$0x11500] =	vst v63  }
0x73: {  	s11 =	simm.s32 $0xDD00;
	v4 =	vperm.xlane v4, v2  }
0x74: {  	[tilespmem:s11], [sflag:$0x2] =	stream.indirect_vreg.gather [hbm4b:s10+s4], $0x80, v5, vm0, $0xb8;
	[tilespmem:$0x11500] =	vst v63  }
0x75: {  	s12 =	simm.s32 $0xE500;
	v4 =	vadd.s32 v1, v4  }
0x76: {  	[tilespmem:s12], [sflag:$0x2] =	stream.indirect_vreg.gather [hbm4b:s22+s4], $0x80, v5, vm0, $0xb8;
	[tilespmem:$0x11500] =	vst v63  }
0x77: {  	s16 =	simm.s32 $0xED00  }
0x78: {  	[tilespmem:s16], [sflag:$0x2] =	stream.indirect_vreg.gather [hbm4b:s23+s4], $0x80, v5, vm0, $0xb8;
	[tilespmem:$0x11500] =	vst v63  }
0x79: {  	s17 =	simm.s32 $0xF500  }
0x7a: {  	[tilespmem:s17], [sflag:$0x2] =	stream.indirect_vreg.gather [hbm4b:s3+s4], $0x80, v4, vm0, $0xb8;
	[tilespmem:$0x11500] =	vst v63  }
0x7b: {  	s18 =	simm.s32 $0xFD00  }
0x7c: {  	[tilespmem:s18], [sflag:$0x2] =	stream.indirect_vreg.gather [hbm4b:s10+s4], $0x80, v4, vm0, $0xb8;
	[tilespmem:$0x11500] =	vst v63  }
.Ltmp2:
0x7d: {  	_ = 	snop;
	(pc) =	sbr.rel .LBB2_2-.Ltmp2, $4  }
0x7e: {  	s20 =	simm.s32 $0x10500;
	s31 =	simm.s32 $0x10D00  }
0x7f: {  	[tilespmem:s20], [sflag:$0x2] =	stream.indirect_vreg.gather [hbm4b:s22+s4], $0x80, v4, vm0, $0xb8;
	[tilespmem:$0x11500] =	vst v63  }
0x80: {  	s6 =	rddreg [dreg:$0xc];
	s18 =	simm.s32 $0x0;
	s20 =	simm.s32 $0x803  }
0x81: {  	[tilespmem:s31], [sflag:$0x2] =	stream.indirect_vreg.gather [hbm4b:s23+s4], $0x80, v4, vm0, $0xb8;
	[tilespmem:$0x11500] =	vst v63  }
.LBB2_4:
0x82: {  	_ =	swait.ge [sflag:s14], $0x8000  }
0x83: {  	[sflag:s14] =	ssyncset.done $0x0  }
0x84: {  	s2 =	sadd.s32 s18, s21;
	[sflag:s14] =	ssyncadd.s32 $0xFFFF8000  }
0x85: {  	[hbm4b:s2+s4] =	stream.linear.scatter [tilespmem:s13], [sflag:$0x3], $0x8000, $0x38;
	[tilespmem:$0x11500] =	vst v63  }
0x86: {  	_ =	swait.ge [sflag:s25], $0x8000  }
0x87: {  	[sflag:s25] =	ssyncset.done $0x0  }
0x88: {  	[sflag:s25] =	ssyncadd.s32 $0xFFFF8000  }
0x89: {  	v4 =	vld @!p0 [tilespmem:s6+$0xFFFFFFF0];
	_ =	sdelay $0x1  }
0x8a: {  	p2 =	seq.s32 @!p0 s18, $0x7C0000  }
0x8b: {  	p1 =	por !p2, p0;
	s2 =	smov.u32 s20  }
0x8c: {  	s2 =	simm.s32 @!p1 $0x0  }
0x8d: {  	v5 =	vadd.s32 @!p0 s2, v4  }
0x8e: {  	v6 =	vshll.u32 @!p0 v5, $0x3  }
0x8f: {  	v7 =	vlaneseq.u32 @!p1;
	v4 =	vand.u32 @!p1 $0x7, v4;
	v6 =	vand.u32 @!p0 $0xFFFFFFC0, v6  }
0x90: {  	v8 =	vand.u32 @!p1 $0x7, v7;
	v7 =	vshrl.u32 @!p1 v7, $0x3;
	v4 =	vor.u32 @!p1 v4, v6  }
0x91: {  	v7 =	vmul.u32 @!p1 $0x8, v7;
	v9 =	vld @!p0 [tilespmem:s6+$0x0];
	v8 =	vperm.xlane @!p1 v4, v8;
	_ =	sdelay $0x1  }
0x92: {  	v7 =	vadd.s32 @!p1 v7, v8;
	_ =	sdelay $0x2  }
0x93: {  	p2 =	por p2, p0;
	[tilespmem:$0x1480] =	vst @!p0 v5;
	v8 =	vadd.s32 @!p0 s2, v9  }
0x94: {  	vm1 =	vmmov @!p1 $0xffff;
	s11 =	simm.s32 @!p1 $0x9500;
	v5 =	vand.u32 @!p2 $0x7, v5;
	s2 =	simm.s32 @!p1 $0x0;
	[tilespmem:$0x1490] =	vst @!p0 v8;
	v8 =	vlaneseq.u32 @!p2  }
0x95: {  	v5 =	vor.u32 @!p2 v5, v6;
	v6 =	vand.u32 @!p2 $0x7, v8;
	v8 =	vshrl.u32 @!p2 v8, $0x3;
	[tilespmem:s11], [sflag:$0x2] =	stream.indirect_vreg.gather @!p1 [hbm4b:s1+s2], $0x80, v7, vm1, $0xb8;
	[tilespmem:$0x11500] =	vst v63  }
0x96: {  	v6 =	vperm.xlane @!p2 v5, v6;
	v8 =	vmul.u32 @!p2 $0x8, v8;
	s11 =	simm.s32 @!p1 $0x9D00  }
0x97: {  	[tilespmem:s11], [sflag:$0x2] =	stream.indirect_vreg.gather @!p1 [hbm4b:s15+s2], $0x80, v7, vm1, $0xb8;
	[tilespmem:$0x11500] =	vst v63  }
0x98: {  	v6 =	vadd.s32 @!p2 v8, v6;
	s11 =	simm.s32 @!p1 $0xA500  }
0x99: {  	[tilespmem:s11], [sflag:$0x2] =	stream.indirect_vreg.gather @!p1 [hbm4b:s24+s2], $0x80, v7, vm1, $0xb8;
	[tilespmem:$0x11500] =	vst v63  }
0x9a: {  	s11 =	simm.s32 @!p1 $0xAD00  }
0x9b: {  	[tilespmem:s11], [sflag:$0x2] =	stream.indirect_vreg.gather @!p1 [hbm4b:s28+s2], $0x80, v7, vm1, $0xb8;
	[tilespmem:$0x11500] =	vst v63  }
0x9c: {  	v7 =	vlaneseq.u32 @!p0;
	vm1 =	vmmov @!p2 $0xffff;
	s2 =	simm.s32 @!p2 $0x0;
	s11 =	simm.s32 @!p2 $0x9500  }
0x9d: {  	v8 =	vand.u32 @!p0 $0x7, v7;
	[tilespmem:s11], [sflag:$0x2] =	stream.indirect_vreg.gather @!p2 [hbm4b:s3+s2], $0x80, v6, vm1, $0xb8;
	[tilespmem:$0x11500] =	vst v63  }
0x9e: {  	v4 =	vpsel p1, v5, v4;
	v7 =	vshrl.u32 @!p0 v7, $0x3;
	v5 =	vor.u32 @!p0 $0x8, v8;
	s11 =	simm.s32 @!p2 $0x9D00  }
0x9f: {  	v7 =	vmul.u32 @!p0 $0x8, v7;
	v4 =	vperm.xlane @!p0 v4, v5;
	[tilespmem:s11], [sflag:$0x2] =	stream.indirect_vreg.gather @!p2 [hbm4b:s10+s2], $0x80, v6, vm1, $0xb8;
	[tilespmem:$0x11500] =	vst v63  }
0xa0: {  	s11 =	simm.s32 @!p2 $0xA500  }
0xa1: {  	v4 =	vadd.s32 @!p0 v7, v4;
	[tilespmem:s11], [sflag:$0x2] =	stream.indirect_vreg.gather @!p2 [hbm4b:s22+s2], $0x80, v6, vm1, $0xb8;
	[tilespmem:$0x11500] =	vst v63  }
0xa2: {  	s11 =	simm.s32 @!p2 $0xAD00  }
0xa3: {  	[tilespmem:s11], [sflag:$0x2] =	stream.indirect_vreg.gather @!p2 [hbm4b:s23+s2], $0x80, v6, vm1, $0xb8;
	[tilespmem:$0x11500] =	vst v63  }
0xa4: {  	s12 =	simm.s32 @!p0 $0xB500;
	s2 =	smov.u32 s1  }
0xa5: {  	s31 =	smov.u32 s15;
	vm1 =	vmmov @!p0 $0xffff;
	s11 =	simm.s32 @!p0 $0x0;
	s2 =	smov.u32 @p1 s3  }
0xa6: {  	[tilespmem:s12], [sflag:$0x2] =	stream.indirect_vreg.gather @!p0 [hbm4b:s2+s11], $0x80, v4, vm1, $0xb8;
	[tilespmem:$0x11500] =	vst v63  }
0xa7: {  	s16 =	smov.u32 s24;
	s31 =	smov.u32 @p1 s10;
	s12 =	simm.s32 @!p0 $0xBD00  }
0xa8: {  	[tilespmem:s12], [sflag:$0x2] =	stream.indirect_vreg.gather @!p0 [hbm4b:s31+s11], $0x80, v4, vm1, $0xb8;
	[tilespmem:$0x11500] =	vst v63  }
0xa9: {  	s17 =	smov.u32 s28;
	s16 =	smov.u32 @p1 s22;
	s12 =	simm.s32 @!p0 $0xC500  }
0xaa: {  	[tilespmem:s12], [sflag:$0x2] =	stream.indirect_vreg.gather @!p0 [hbm4b:s16+s11], $0x80, v4, vm1, $0xb8;
	[tilespmem:$0x11500] =	vst v63  }
0xab: {  	s17 =	smov.u32 @p1 s23;
	s12 =	simm.s32 @!p0 $0xCD00  }
0xac: {  	[tilespmem:s12], [sflag:$0x2] =	stream.indirect_vreg.gather @!p0 [hbm4b:s17+s11], $0x80, v4, vm1, $0xb8;
	[tilespmem:$0x11500] =	vst v63  }
0xad: {  	v4 =	vld @!p0 [tilespmem:$0x1490];
	_ =	sdelay $0x4  }
0xae: {  	v6 =	vshll.u32 @!p0 v4, $0x3  }
0xaf: {  	v4 =	vand.u32 @!p0 $0x7, v4;
	v6 =	vand.u32 @!p0 $0xFFFFFFC0, v6  }
0xb0: {  	v4 =	vor.u32 @!p0 v4, v6  }
0xb1: {  	v6 =	vperm.xlane @!p0 v4, v8;
	_ =	sdelay $0x1  }
0xb2: {  	v6 =	vadd.s32 @!p0 v7, v6;
	_ =	sdelay $0x3  }
0xb3: {  	s12 =	simm.s32 @!p0 $0xD500  }
0xb4: {  	[tilespmem:s12], [sflag:$0x2] =	stream.indirect_vreg.gather @!p0 [hbm4b:s2+s11], $0x80, v6, vm1, $0xb8;
	[tilespmem:$0x11500] =	vst v63  }
0xb5: {  	v4 =	vperm.xlane @!p0 v4, v5;
	s12 =	simm.s32 @!p0 $0xDD00  }
0xb6: {  	[tilespmem:s12], [sflag:$0x2] =	stream.indirect_vreg.gather @!p0 [hbm4b:s31+s11], $0x80, v6, vm1, $0xb8;
	[tilespmem:$0x11500] =	vst v63  }
0xb7: {  	v4 =	vadd.s32 @!p0 v7, v4;
	s12 =	simm.s32 @!p0 $0xE500  }
0xb8: {  	[tilespmem:s12], [sflag:$0x2] =	stream.indirect_vreg.gather @!p0 [hbm4b:s16+s11], $0x80, v6, vm1, $0xb8;
	[tilespmem:$0x11500] =	vst v63  }
0xb9: {  	s18 =	sadd.s32 @!p0 $0x40000, s18;
	s12 =	simm.s32 @!p0 $0xED00  }
0xba: {  	[tilespmem:s12], [sflag:$0x2] =	stream.indirect_vreg.gather @!p0 [hbm4b:s17+s11], $0x80, v6, vm1, $0xb8;
	[tilespmem:$0x11500] =	vst v63  }
0xbb: {  	p1 =	sne.s32 @!p0 s18, $0x840000;
	s12 =	simm.s32 @!p0 $0xF500  }
0xbc: {  	[tilespmem:s12], [sflag:$0x2] =	stream.indirect_vreg.gather @!p0 [hbm4b:s2+s11], $0x80, v4, vm1, $0xb8;
	[tilespmem:$0x11500] =	vst v63  }
0xbd: {  	p1 =	por p0, !p1;
	s2 =	simm.s32 @!p0 $0xFD00  }
0xbe: {  	[tilespmem:s2], [sflag:$0x2] =	stream.indirect_vreg.gather @!p0 [hbm4b:s31+s11], $0x80, v4, vm1, $0xb8;
	[tilespmem:$0x11500] =	vst v63  }
.Ltmp3:
0xbf: {  	_ = 	snop;
	(pc) =	sbr.rel @p1 .LBB2_5-.Ltmp3, $4  }
0xc0: {  	s2 =	simm.s32 @!p0 $0x10500  }
0xc1: {  	[tilespmem:s2], [sflag:$0x2] =	stream.indirect_vreg.gather @!p0 [hbm4b:s16+s11], $0x80, v4, vm1, $0xb8;
	[tilespmem:$0x11500] =	vst v63  }
0xc2: {  	s20 =	sadd.s32 @!p0 $0x803, s20;
	s6 =	sadd.s32 @!p0 $0x80, s6;
	s2 =	simm.s32 @!p0 $0x10D00  }
0xc3: {  	[tilespmem:s2], [sflag:$0x2] =	stream.indirect_vreg.gather @!p0 [hbm4b:s17+s11], $0x80, v4, vm1, $0xb8;
	[tilespmem:$0x11500] =	vst v63  }
.LBB2_2:
0xc4: {  	_ =	swait.ge [sflag:s5], $0x8000  }
0xc5: {  	p0 =	seq.s32 s18, $0x800000;
	[sflag:s5] =	ssyncset.done $0x0  }
.Ltmp4:
0xc6: {  	s31 =	sadd.s32 s18, s19;
	[sflag:s5] =	ssyncadd.s32 $0xFFFF8000;
	(pc) =	sbr.rel @p0 .LBB2_4-.Ltmp4, $4  }
0xc7: {  	[hbm4b:s31+s4] =	stream.linear.scatter [tilespmem:s26], [sflag:$0x3], $0x8000, $0x38;
	[tilespmem:$0x11500] =	vst v63  }
0xc8: {  	_ =	swait.ge [sflag:s25], $0x8000  }
0xc9: {  	[sflag:s25] =	ssyncset.done $0x0  }
0xca: {  	[sflag:s25] =	ssyncadd.s32 $0xFFFF8000  }
0xcb: {  	v4 =	vld [tilespmem:s6+$0xFFFFFFD0];
	_ =	sdelay $0x2  }
0xcc: {  	p1 =	seq.s32 s18, $0x7C0000;
	s31 =	smov.u32 s20  }
0xcd: {  	s31 =	simm.s32 @p1 $0x0  }
0xce: {  	v5 =	vadd.s32 s31, v4  }
0xcf: {  	v6 =	vshll.u32 v5, $0x3  }
0xd0: {  	v7 =	vlaneseq.u32 @p1;
	v4 =	vand.u32 @p1 $0x7, v4;
	v6 =	vand.u32 $0xFFFFFFC0, v6  }
0xd1: {  	v8 =	vand.u32 @p1 $0x7, v7;
	v7 =	vshrl.u32 @p1 v7, $0x3;
	v4 =	vor.u32 @p1 v4, v6  }
0xd2: {  	v9 =	vld [tilespmem:s6+$0xFFFFFFE0];
	v7 =	vmul.u32 @p1 $0x8, v7;
	v8 =	vperm.xlane @p1 v4, v8;
	_ =	sdelay $0x1  }
0xd3: {  	v7 =	vadd.s32 @p1 v7, v8;
	_ =	sdelay $0x2  }
0xd4: {  	v63 =	vadd.s32 s31, v9;
	[tilespmem:$0x1400] =	vst v5  }
0xd5: {  	vm1 =	vmmov @p1 $0xffff;
	s2 =	simm.s32 @p1 $0x1500;
	s31 =	simm.s32 @p1 $0x0;
	[tilespmem:$0x1410] =	vst v63;
	v5 =	vand.u32 @!p1 $0x7, v5;
	v8 =	vlaneseq.u32 @!p1  }
0xd6: {  	v5 =	vor.u32 @!p1 v5, v6;
	v6 =	vand.u32 @!p1 $0x7, v8;
	v8 =	vshrl.u32 @!p1 v8, $0x3;
	[tilespmem:s2], [sflag:$0x1] =	stream.indirect_vreg.gather @p1 [hbm4b:s1+s31], $0x80, v7, vm1, $0xb8;
	[tilespmem:$0x11500] =	vst v63  }
0xd7: {  	v6 =	vperm.xlane @!p1 v5, v6;
	v8 =	vmul.u32 @!p1 $0x8, v8;
	s2 =	simm.s32 @p1 $0x1D00  }
0xd8: {  	[tilespmem:s2], [sflag:$0x1] =	stream.indirect_vreg.gather @p1 [hbm4b:s15+s31], $0x80, v7, vm1, $0xb8;
	[tilespmem:$0x11500] =	vst v63  }
0xd9: {  	v6 =	vadd.s32 @!p1 v8, v6;
	s2 =	simm.s32 @p1 $0x2500  }
0xda: {  	[tilespmem:s2], [sflag:$0x1] =	stream.indirect_vreg.gather @p1 [hbm4b:s24+s31], $0x80, v7, vm1, $0xb8;
	[tilespmem:$0x11500] =	vst v63  }
0xdb: {  	s2 =	simm.s32 @p1 $0x2D00  }
0xdc: {  	[tilespmem:s2], [sflag:$0x1] =	stream.indirect_vreg.gather @p1 [hbm4b:s28+s31], $0x80, v7, vm1, $0xb8;
	[tilespmem:$0x11500] =	vst v63  }
0xdd: {  	vm1 =	vmmov @!p1 $0xffff;
	s2 =	simm.s32 @!p1 $0x0;
	s31 =	simm.s32 @!p1 $0x1500  }
0xde: {  	[tilespmem:s31], [sflag:$0x1] =	stream.indirect_vreg.gather @!p1 [hbm4b:s3+s2], $0x80, v6, vm1, $0xb8;
	[tilespmem:$0x11500] =	vst v63  }
0xdf: {  	v4 =	vpsel p1, v4, v5;
	s31 =	simm.s32 @!p1 $0x1D00  }
0xe0: {  	v4 =	vperm.xlane v4, v3;
	[tilespmem:s31], [sflag:$0x1] =	stream.indirect_vreg.gather @!p1 [hbm4b:s10+s2], $0x80, v6, vm1, $0xb8;
	[tilespmem:$0x11500] =	vst v63  }
0xe1: {  	s31 =	simm.s32 @!p1 $0x2500  }
0xe2: {  	v4 =	vadd.s32 v1, v4;
	[tilespmem:s31], [sflag:$0x1] =	stream.indirect_vreg.gather @!p1 [hbm4b:s22+s2], $0x80, v6, vm1, $0xb8;
	[tilespmem:$0x11500] =	vst v63  }
0xe3: {  	s31 =	simm.s32 @!p1 $0x2D00  }
0xe4: {  	[tilespmem:s31], [sflag:$0x1] =	stream.indirect_vreg.gather @!p1 [hbm4b:s23+s2], $0x80, v6, vm1, $0xb8;
	[tilespmem:$0x11500] =	vst v63  }
0xe5: {  	s2 =	smov.u32 s3  }
0xe6: {  	s11 =	simm.s32 $0x3500;
	s31 =	smov.u32 s10;
	s2 =	smov.u32 @p1 s1  }
0xe7: {  	[tilespmem:s11], [sflag:$0x1] =	stream.indirect_vreg.gather [hbm4b:s2+s4], $0x80, v4, vm0, $0xb8;
	[tilespmem:$0x11500] =	vst v63  }
0xe8: {  	s12 =	simm.s32 $0x3D00;
	s31 =	smov.u32 @p1 s15;
	s11 =	smov.u32 s22  }
0xe9: {  	[tilespmem:s12], [sflag:$0x1] =	stream.indirect_vreg.gather [hbm4b:s31+s4], $0x80, v4, vm0, $0xb8;
	[tilespmem:$0x11500] =	vst v63  }
0xea: {  	s16 =	simm.s32 $0x4500;
	s11 =	smov.u32 @p1 s24;
	s12 =	smov.u32 s23  }
0xeb: {  	[tilespmem:s16], [sflag:$0x1] =	stream.indirect_vreg.gather [hbm4b:s11+s4], $0x80, v4, vm0, $0xb8;
	[tilespmem:$0x11500] =	vst v63  }
0xec: {  	s17 =	simm.s32 $0x4D00;
	s12 =	smov.u32 @p1 s28  }
0xed: {  	[tilespmem:s17], [sflag:$0x1] =	stream.indirect_vreg.gather [hbm4b:s12+s4], $0x80, v4, vm0, $0xb8;
	[tilespmem:$0x11500] =	vst v63  }
0xee: {  	v4 =	vld [tilespmem:$0x1410];
	_ =	sdelay $0x4  }
0xef: {  	v5 =	vshll.u32 v4, $0x3  }
0xf0: {  	v4 =	vand.u32 $0x7, v4;
	v5 =	vand.u32 $0xFFFFFFC0, v5  }
0xf1: {  	v4 =	vor.u32 v4, v5  }
0xf2: {  	v5 =	vperm.xlane v4, v0;
	_ =	sdelay $0x1  }
0xf3: {  	v5 =	vadd.s32 v1, v5;
	_ =	sdelay $0x3  }
0xf4: {  	s17 =	simm.s32 $0x5500  }
0xf5: {  	[tilespmem:s17], [sflag:$0x1] =	stream.indirect_vreg.gather [hbm4b:s2+s4], $0x80, v5, vm0, $0xb8;
	[tilespmem:$0x11500] =	vst v63  }
0xf6: {  	v4 =	vperm.xlane v4, v3;
	s17 =	simm.s32 $0x5D00  }
0xf7: {  	[tilespmem:s17], [sflag:$0x1] =	stream.indirect_vreg.gather [hbm4b:s31+s4], $0x80, v5, vm0, $0xb8;
	[tilespmem:$0x11500] =	vst v63  }
0xf8: {  	v4 =	vadd.s32 v1, v4  }
0xf9: {  	[tilespmem:s0], [sflag:$0x1] =	stream.indirect_vreg.gather [hbm4b:s11+s4], $0x80, v5, vm0, $0xb8;
	[tilespmem:$0x11500] =	vst v63  }
0xfa: {  	_ = 	snop  }
0xfb: {  	[tilespmem:s29], [sflag:$0x1] =	stream.indirect_vreg.gather [hbm4b:s12+s4], $0x80, v5, vm0, $0xb8;
	[tilespmem:$0x11500] =	vst v63  }
0xfc: {  	_ = 	snop  }
0xfd: {  	[tilespmem:s30], [sflag:$0x1] =	stream.indirect_vreg.gather [hbm4b:s2+s4], $0x80, v4, vm0, $0xb8;
	[tilespmem:$0x11500] =	vst v63  }
0xfe: {  	_ = 	snop  }
0xff: {  	[tilespmem:s7], [sflag:$0x1] =	stream.indirect_vreg.gather [hbm4b:s31+s4], $0x80, v4, vm0, $0xb8;
	[tilespmem:$0x11500] =	vst v63  }
.Ltmp5:
0x100: {  	_ = 	snop;
	(pc) =	sbr.rel .LBB2_4-.Ltmp5, $4  }
0x101: {  	_ = 	snop  }
0x102: {  	[tilespmem:s8], [sflag:$0x1] =	stream.indirect_vreg.gather [hbm4b:s11+s4], $0x80, v4, vm0, $0xb8;
	[tilespmem:$0x11500] =	vst v63  }
0x103: {  	_ = 	snop  }
0x104: {  	[tilespmem:s9], [sflag:$0x1] =	stream.indirect_vreg.gather [hbm4b:s12+s4], $0x80, v4, vm0, $0xb8;
	[tilespmem:$0x11500] =	vst v63  }
.LBB2_6:
0x105: {  	_ =	sfence.sel $0x180000  }
0x106: {  	[bflag:$0x0] =	sbarrier.arrive $0xFFFF  }
0x107: {  	_ =	strace $0x90000047  }
0x108: {  	s0 =	stileid.u32;
	[bflag:$0x2] =	sbarrier.arrive $0xFFFF  }
0x109: {  	p0 =	sne.s32 s0, $0x0;
	s0 =	rddreg [dreg:$0x4]  }
0x10a: {  	s0 =	sadd.s32 @!p0 $0x100000, s0  }
0x10b: {  	[sflag:s0] =	ssyncadd.tile.s32 @!p0 $0x1;
	_ =	shalt  }
.Lfunc_end2:
_tile_overlayer_lowered:
.L_overlay_start_2:
0x10c: {  	(tag) =	ssettag $0x2  }
0x10d: {  	s0 =	rddreg [dreg:$0x0];
	s2 =	stileid.u32  }
0x10e: {  	s1 =	rddreg [dreg:$0x1];
	p0 =	sne.s32 s2, $0x0  }
0x10f: {  	s3 =	rddreg [dreg:$0x2];
	[bflag:$0x3] =	sbarrier.arrive $0xFFFF;
	s2 =	simm.s32 @!p0 $0x1C03  }
0x110: {  	[timem:s3], [sflag:s2] =	dma.local @!p0 [hbm:s0], s1  }
0x111: {  	s0 =	simm.s32 @!p0 $0x3  }
0x112: {  	_ =	swait.ge @!p0 [sflag:s0], s1  }
0x113: {  	s1 =	ssub.s32 @!p0 $0x0, s1;
	[sflag:s0] =	ssyncset.done @!p0 $0x0  }
0x114: {  	[sflag:s0] =	ssyncadd.s32 @!p0 s1  }
0x115: {  	[bflag:$0x3] =	sbarrier.arrive $0xFFFF  }
0x116: {  	_ =	shalt  }

</sc_bundles>
